<compile_context>
chip_gen: v7x
topology: tpu7x:2x2x1
jax: 0.10.2.dev20260603
libtpu: 0.0.44.dev20260713+nightly
codegen_flags: <defaults>
</compile_context>

<pallas_src>
import functools

import jax
import jax.numpy as jnp
from jax import lax
from jax.experimental import pallas as pl
from jax.experimental.pallas import tpu as pltpu
from jax.experimental.pallas import tpu_sc as plsc

_N = 8388608
_NC, _NS, _L = 2, 16, 16
_NW = _NC * _NS
_NBINS = 4096
_HIST = _NBINS * _L
_ITEMS_PER_TILE = _N // _NW
_CHUNK = 8192
_NCHUNK = _ITEMS_PER_TILE // _CHUNK
_UNROLL = 8

_mesh = plsc.VectorSubcoreMesh(core_axis_name="c", subcore_axis_name="s")


@functools.partial(
    pl.kernel,
    mesh=_mesh,
    out_type=jax.ShapeDtypeStruct((_NW * _HIST,), jnp.float32),
    scratch_types=[
        pltpu.VMEM((_HIST,), jnp.float32),
        pltpu.VMEM((_CHUNK,), jnp.float32),
        pltpu.VMEM((_CHUNK,), jnp.float32),
        pltpu.VMEM((_CHUNK,), jnp.float32),
        pltpu.VMEM((_CHUNK,), jnp.int32),
        pltpu.VMEM((_CHUNK,), jnp.int32),
        pltpu.VMEM((_CHUNK,), jnp.int32),
        pltpu.SemaphoreType.DMA,
        pltpu.SemaphoreType.DMA,
        pltpu.SemaphoreType.DMA,
    ],
    compiler_params=pltpu.CompilerParams(needs_layout_passes=False),
)
def _sc_hist(scores_hbm, labels_hbm, out_hbm, hist, sb0, sb1, sb2,
             lb0, lb1, lb2, sem0, sem1, sem2):
    wid = lax.axis_index("s") * _NC + lax.axis_index("c")
    base = wid * _ITEMS_PER_TILE
    sbufs = (sb0, sb1, sb2)
    lbufs = (lb0, lb1, lb2)
    sems = (sem0, sem1, sem2)

    zeros16 = jnp.zeros((_L,), jnp.float32)

    def zbody(i, carry):
        for k in range(8):
            hist[pl.ds((i * 8 + k) * _L, _L)] = zeros16
        return carry

    lane = lax.iota(jnp.int32, _L)

    def _copies(c, slot):
        off = jnp.minimum(base + c * _CHUNK, _N - _CHUNK)
        return (
            pltpu.make_async_copy(
                scores_hbm.at[pl.ds(off, _CHUNK)], sbufs[slot], sems[slot]),
            pltpu.make_async_copy(
                labels_hbm.at[pl.ds(off, _CHUNK)], lbufs[slot], sems[slot]),
        )

    def fire(c, slot):
        for cp in _copies(c, slot):
            cp.start()

    def drain(slot):
        for cp in _copies(0, slot):
            cp.wait()

    def process(slot):
        @plsc.parallel_loop(0, _CHUNK // _L, 1, unroll=_UNROLL)
        def vbody(i):
            j = i * _L
            s = sbufs[slot][pl.ds(j, _L)]
            lv = lbufs[slot][pl.ds(j, _L)]
            y = s * float(_NBINS * _L) + 2.0**23
            bits = plsc.bitcast(y, jnp.int32)
            idx = (bits & ((_NBINS - 1) * _L)) | lane
            d = s - lv.astype(jnp.float32)
            plsc.addupdate_scatter(hist, [idx], d)

    fire(0, 0)
    fire(1, 1)
    lax.fori_loop(0, _HIST // (_L * 8), zbody, 0)

    def pbody(p, carry):
        c0 = p * 3
        for b in range(3):
            fire(c0 + b + 2, (b + 2) % 3)
            drain(b)
            process(b)
        return carry

    lax.fori_loop(0, (_NCHUNK - 2) // 3, pbody, 0)
    drain(0)
    process(0)
    drain(1)
    process(1)

    pltpu.sync_copy(hist, out_hbm.at[pl.ds(wid * _HIST, _HIST)])


_ROWS = _HIST // 128
_GRP = 128 // _L


def _tc_finish_body(a_ref, o_ref):
    a = a_ref[...]
    v = jnp.sum(a, axis=0)

    col = lax.broadcasted_iota(jnp.int32, (128, _GRP), 0)
    grp = lax.broadcasted_iota(jnp.int32, (128, _GRP), 1)
    fold = (col // _L == grp).astype(jnp.float32)
    h = jnp.dot(v, fold, preferred_element_type=jnp.float32)

    i8 = lax.broadcasted_iota(jnp.int32, (_GRP, _GRP), 0)
    j8 = lax.broadcasted_iota(jnp.int32, (_GRP, _GRP), 1)
    upper8 = (i8 <= j8).astype(jnp.float32)
    rowpref = jnp.dot(h, upper8, preferred_element_type=jnp.float32)

    rowtot = jnp.sum(v, axis=1, keepdims=True)
    ir = lax.broadcasted_iota(jnp.int32, (_ROWS, _ROWS), 0)
    jr = lax.broadcasted_iota(jnp.int32, (_ROWS, _ROWS), 1)
    lower_strict = (jr < ir).astype(jnp.float32)
    offs = jnp.dot(lower_strict, rowtot, preferred_element_type=jnp.float32)

    p = rowpref + offs
    o_ref[...] = jnp.max(jnp.abs(p), keepdims=True) * (1.0 / _N)


def kernel(scores, labels):
    hist_all = _sc_hist(scores, labels)
    a3 = hist_all.reshape(_NW, _ROWS, 128)
    ks = pl.pallas_call(
        _tc_finish_body,
        out_shape=jax.ShapeDtypeStruct((1, 1), jnp.float32),
    )(a3)
    return ks[0, 0]

# --- scband reference (transcript-rebuilt; emitter-appended) ---
"""Pipeline reference for scband-ks-error-62448824484150 (READ-ONLY COPY).

The authoritative reference and input builder live on the scoring server;
editing this copy changes nothing except your own understanding.
"""

import jax, jax.numpy as jnp
import numpy as np

N = 8388608

def setup_inputs(seed: int = 0) -> dict:
    key = jax.random.key(seed)
    k1, k2 = jax.random.split(key)
    scores = jax.random.uniform(k1, (N,), dtype=jnp.float32)
    labels = jax.random.randint(k2, (N,), 0, 2, dtype=jnp.int32)
    return {"scores": scores, "labels": labels}

def reference(scores, labels):
    # Faithful translation of ks_error: sort by scores, cumsum both, max abs diff.
    order = jnp.argsort(scores)
    s_sorted = jnp.take(scores, order)
    l_sorted = jnp.take(labels, order).astype(jnp.float32)
    nsamples = s_sorted.shape[0]
    integrated_scores = jnp.cumsum(s_sorted) / nsamples
    integrated_accuracy = jnp.cumsum(l_sorted) / nsamples
    ks_error_max = jnp.max(jnp.abs(integrated_scores - integrated_accuracy))
    return ks_error_max

if __name__ == "__main__":
    import jax
    _d = setup_inputs()
    print(jax.jit(kernel)(*tuple(_d.values())))

</pallas_src>

<mosaic_0001>
#map = affine_map<(d0, d1) -> (0)>
module attributes {stable_mosaic.version = 14 : i64} {
  func.func @_sc_hist(%arg0: i32, %arg1: i32, %arg2: memref<8388608xf32, #tpu.memory_space<hbm>>, %arg3: memref<8388608xi32, #tpu.memory_space<hbm>>, %arg4: memref<2097152xf32, #tpu.memory_space<hbm>>, %arg5: memref<65536xf32, #tpu.memory_space<vmem>>, %arg6: memref<8192xf32, #tpu.memory_space<vmem>>, %arg7: memref<8192xf32, #tpu.memory_space<vmem>>, %arg8: memref<8192xf32, #tpu.memory_space<vmem>>, %arg9: memref<8192xi32, #tpu.memory_space<vmem>>, %arg10: memref<8192xi32, #tpu.memory_space<vmem>>, %arg11: memref<8192xi32, #tpu.memory_space<vmem>>, %arg12: memref<!tpu.dma_semaphore, #tpu.memory_space<semaphore_mem>>, %arg13: memref<!tpu.dma_semaphore, #tpu.memory_space<semaphore_mem>>, %arg14: memref<!tpu.dma_semaphore, #tpu.memory_space<semaphore_mem>>) attributes {dimension_semantics = [#tpu.dimension_semantics<core_parallel>, #tpu.dimension_semantics<subcore_parallel>], iteration_bounds = array<i64: 2, 16>, scalar_prefetch = 0 : i64, scratch_operands = 10 : i64, tpu.core_type = #tpu.core_type<sc_vector_subcore>, window_params = [{transform_indices = #map}, {transform_indices = #map}, {transform_indices = #map}]} {
    %mul3A = arith.constant 2 : i32
    %mul3A_0 = arith.muli %arg1, %mul3A : i32
    %add3A = arith.addi %mul3A_0, %arg0 : i32
    %mul3A_1 = arith.constant 262144 : i32
    %mul3A_2 = arith.muli %add3A, %mul3A_1 : i32
    %broadcast_in_dim3A = arith.constant 0.000000e+00 : f32
    %broadcast_in_dim3A_3 = vector.broadcast %broadcast_in_dim3A : f32 to vector<16xf32>
    %iota3A = tpu.iota {dimensions = array<i32: 0>} : vector<16xi32>
    %add3A_4 = arith.constant 0 : i32
    %add3A_5 = arith.addi %mul3A_2, %add3A_4 : i32
    %min3A = arith.constant 8380416 : i32
    %min3A_6 = arith.minsi %add3A_5, %min3A : i32
    %dma_start3A = tpu.memref_slice %arg2[%min3A_6] : memref<8388608xf32, #tpu.memory_space<hbm>> -> memref<8192xf32, #tpu.memory_space<hbm>>
    %dma_start3A_7 = tpu.memref_slice %arg2[%min3A_6] : memref<8388608xf32, #tpu.memory_space<hbm>> -> memref<8192xf32, #tpu.memory_space<hbm>>
    tpu.enqueue_dma source(%dma_start3A_7 : memref<8192xf32, #tpu.memory_space<hbm>>) target(%arg6 : memref<8192xf32, #tpu.memory_space<vmem>>) target_semaphore(%arg12 : memref<!tpu.dma_semaphore, #tpu.memory_space<semaphore_mem>>)
    %dma_start3A_8 = tpu.memref_slice %arg3[%min3A_6] : memref<8388608xi32, #tpu.memory_space<hbm>> -> memref<8192xi32, #tpu.memory_space<hbm>>
    %dma_start3A_9 = tpu.memref_slice %arg3[%min3A_6] : memref<8388608xi32, #tpu.memory_space<hbm>> -> memref<8192xi32, #tpu.memory_space<hbm>>
    tpu.enqueue_dma source(%dma_start3A_9 : memref<8192xi32, #tpu.memory_space<hbm>>) target(%arg9 : memref<8192xi32, #tpu.memory_space<vmem>>) target_semaphore(%arg12 : memref<!tpu.dma_semaphore, #tpu.memory_space<semaphore_mem>>)
    %add3A_10 = arith.constant 8192 : i32
    %add3A_11 = arith.addi %mul3A_2, %add3A_10 : i32
    %min3A_12 = arith.constant 8380416 : i32
    %min3A_13 = arith.minsi %add3A_11, %min3A_12 : i32
    %dma_start3A_14 = tpu.memref_slice %arg2[%min3A_13] : memref<8388608xf32, #tpu.memory_space<hbm>> -> memref<8192xf32, #tpu.memory_space<hbm>>
    %dma_start3A_15 = tpu.memref_slice %arg2[%min3A_13] : memref<8388608xf32, #tpu.memory_space<hbm>> -> memref<8192xf32, #tpu.memory_space<hbm>>
    tpu.enqueue_dma source(%dma_start3A_15 : memref<8192xf32, #tpu.memory_space<hbm>>) target(%arg7 : memref<8192xf32, #tpu.memory_space<vmem>>) target_semaphore(%arg13 : memref<!tpu.dma_semaphore, #tpu.memory_space<semaphore_mem>>)
    %dma_start3A_16 = tpu.memref_slice %arg3[%min3A_13] : memref<8388608xi32, #tpu.memory_space<hbm>> -> memref<8192xi32, #tpu.memory_space<hbm>>
    %dma_start3A_17 = tpu.memref_slice %arg3[%min3A_13] : memref<8388608xi32, #tpu.memory_space<hbm>> -> memref<8192xi32, #tpu.memory_space<hbm>>
    tpu.enqueue_dma source(%dma_start3A_17 : memref<8192xi32, #tpu.memory_space<hbm>>) target(%arg10 : memref<8192xi32, #tpu.memory_space<vmem>>) target_semaphore(%arg13 : memref<!tpu.dma_semaphore, #tpu.memory_space<semaphore_mem>>)
    %scan3A = arith.constant 0 : i32
    %scan3A_18 = arith.constant 0 : i32
    %scan3A_19 = arith.constant 512 : i32
    %scan3A_20 = arith.addi %scan3A_18, %scan3A_19 : i32
    %scan3A_21 = arith.constant 1 : i32
    scf.for %scan3A_51 = %scan3A_18 to %scan3A_20 step %scan3A_21  : i32 {
      %mul3A_52 = arith.constant 8 : i32
      %mul3A_53 = arith.muli %scan3A_51, %mul3A_52 : i32
      %add3A_54 = arith.constant 0 : i32
      %add3A_55 = arith.addi %mul3A_53, %add3A_54 : i32
      %mul3A_56 = arith.constant 16 : i32
      %mul3A_57 = arith.muli %add3A_55, %mul3A_56 : i32
      %swap3A = arith.index_cast %mul3A_57 : i32 to index
      %swap3A_58 = tpu.vector_load %arg5[%swap3A] {strides = array<i32>} : memref<65536xf32, #tpu.memory_space<vmem>>, vector<16xf32>,
      tpu.vector_store %arg5[%swap3A], %broadcast_in_dim3A_3 {strides = array<i32>} : memref<65536xf32, #tpu.memory_space<vmem>>, vector<16xf32>,
      %mul3A_59 = arith.constant 8 : i32
      %mul3A_60 = arith.muli %scan3A_51, %mul3A_59 : i32
      %add3A_61 = arith.constant 1 : i32
      %add3A_62 = arith.addi %mul3A_60, %add3A_61 : i32
      %mul3A_63 = arith.constant 16 : i32
      %mul3A_64 = arith.muli %add3A_62, %mul3A_63 : i32
      %swap3A_65 = arith.index_cast %mul3A_64 : i32 to index
      %swap3A_66 = tpu.vector_load %arg5[%swap3A_65] {strides = array<i32>} : memref<65536xf32, #tpu.memory_space<vmem>>, vector<16xf32>,
      tpu.vector_store %arg5[%swap3A_65], %broadcast_in_dim3A_3 {strides = array<i32>} : memref<65536xf32, #tpu.memory_space<vmem>>, vector<16xf32>,
      %mul3A_67 = arith.constant 8 : i32
      %mul3A_68 = arith.muli %scan3A_51, %mul3A_67 : i32
      %add3A_69 = arith.constant 2 : i32
      %add3A_70 = arith.addi %mul3A_68, %add3A_69 : i32
      %mul3A_71 = arith.constant 16 : i32
      %mul3A_72 = arith.muli %add3A_70, %mul3A_71 : i32
      %swap3A_73 = arith.index_cast %mul3A_72 : i32 to index
      %swap3A_74 = tpu.vector_load %arg5[%swap3A_73] {strides = array<i32>} : memref<65536xf32, #tpu.memory_space<vmem>>, vector<16xf32>,
      tpu.vector_store %arg5[%swap3A_73], %broadcast_in_dim3A_3 {strides = array<i32>} : memref<65536xf32, #tpu.memory_space<vmem>>, vector<16xf32>,
      %mul3A_75 = arith.constant 8 : i32
      %mul3A_76 = arith.muli %scan3A_51, %mul3A_75 : i32
      %add3A_77 = arith.constant 3 : i32
      %add3A_78 = arith.addi %mul3A_76, %add3A_77 : i32
      %mul3A_79 = arith.constant 16 : i32
      %mul3A_80 = arith.muli %add3A_78, %mul3A_79 : i32
      %swap3A_81 = arith.index_cast %mul3A_80 : i32 to index
      %swap3A_82 = tpu.vector_load %arg5[%swap3A_81] {strides = array<i32>} : memref<65536xf32, #tpu.memory_space<vmem>>, vector<16xf32>,
      tpu.vector_store %arg5[%swap3A_81], %broadcast_in_dim3A_3 {strides = array<i32>} : memref<65536xf32, #tpu.memory_space<vmem>>, vector<16xf32>,
      %mul3A_83 = arith.constant 8 : i32
      %mul3A_84 = arith.muli %scan3A_51, %mul3A_83 : i32
      %add3A_85 = arith.constant 4 : i32
      %add3A_86 = arith.addi %mul3A_84, %add3A_85 : i32
      %mul3A_87 = arith.constant 16 : i32
      %mul3A_88 = arith.muli %add3A_86, %mul3A_87 : i32
      %swap3A_89 = arith.index_cast %mul3A_88 : i32 to index
      %swap3A_90 = tpu.vector_load %arg5[%swap3A_89] {strides = array<i32>} : memref<65536xf32, #tpu.memory_space<vmem>>, vector<16xf32>,
      tpu.vector_store %arg5[%swap3A_89], %broadcast_in_dim3A_3 {strides = array<i32>} : memref<65536xf32, #tpu.memory_space<vmem>>, vector<16xf32>,
      %mul3A_91 = arith.constant 8 : i32
      %mul3A_92 = arith.muli %scan3A_51, %mul3A_91 : i32
      %add3A_93 = arith.constant 5 : i32
      %add3A_94 = arith.addi %mul3A_92, %add3A_93 : i32
      %mul3A_95 = arith.constant 16 : i32
      %mul3A_96 = arith.muli %add3A_94, %mul3A_95 : i32
      %swap3A_97 = arith.index_cast %mul3A_96 : i32 to index
      %swap3A_98 = tpu.vector_load %arg5[%swap3A_97] {strides = array<i32>} : memref<65536xf32, #tpu.memory_space<vmem>>, vector<16xf32>,
      tpu.vector_store %arg5[%swap3A_97], %broadcast_in_dim3A_3 {strides = array<i32>} : memref<65536xf32, #tpu.memory_space<vmem>>, vector<16xf32>,
      %mul3A_99 = arith.constant 8 : i32
      %mul3A_100 = arith.muli %scan3A_51, %mul3A_99 : i32
      %add3A_101 = arith.constant 6 : i32
      %add3A_102 = arith.addi %mul3A_100, %add3A_101 : i32
      %mul3A_103 = arith.constant 16 : i32
      %mul3A_104 = arith.muli %add3A_102, %mul3A_103 : i32
      %swap3A_105 = arith.index_cast %mul3A_104 : i32 to index
      %swap3A_106 = tpu.vector_load %arg5[%swap3A_105] {strides = array<i32>} : memref<65536xf32, #tpu.memory_space<vmem>>, vector<16xf32>,
      tpu.vector_store %arg5[%swap3A_105], %broadcast_in_dim3A_3 {strides = array<i32>} : memref<65536xf32, #tpu.memory_space<vmem>>, vector<16xf32>,
      %mul3A_107 = arith.constant 8 : i32
      %mul3A_108 = arith.muli %scan3A_51, %mul3A_107 : i32
      %add3A_109 = arith.constant 7 : i32
      %add3A_110 = arith.addi %mul3A_108, %add3A_109 : i32
      %mul3A_111 = arith.constant 16 : i32
      %mul3A_112 = arith.muli %add3A_110, %mul3A_111 : i32
      %swap3A_113 = arith.index_cast %mul3A_112 : i32 to index
      %swap3A_114 = tpu.vector_load %arg5[%swap3A_113] {strides = array<i32>} : memref<65536xf32, #tpu.memory_space<vmem>>, vector<16xf32>,
      tpu.vector_store %arg5[%swap3A_113], %broadcast_in_dim3A_3 {strides = array<i32>} : memref<65536xf32, #tpu.memory_space<vmem>>, vector<16xf32>,
    }
    %scan3A_22 = arith.constant 512 : i32
    %scan3A_23 = arith.constant 0 : i32
    %scan3A_24 = arith.constant 0 : i32
    %scan3A_25 = arith.constant 10 : i32
    %scan3A_26 = arith.addi %scan3A_24, %scan3A_25 : i32
    %scan3A_27 = arith.constant 1 : i32
    scf.for %scan3A_51 = %scan3A_24 to %scan3A_26 step %scan3A_27  : i32 {
      %mul3A_52 = arith.constant 3 : i32
      %mul3A_53 = arith.muli %scan3A_51, %mul3A_52 : i32
      %add3A_54 = arith.constant 0 : i32
      %add3A_55 = arith.addi %mul3A_53, %add3A_54 : i32
      %add3A_56 = arith.constant 2 : i32
      %add3A_57 = arith.addi %add3A_55, %add3A_56 : i32
      %mul3A_58 = arith.constant 8192 : i32
      %mul3A_59 = arith.muli %add3A_57, %mul3A_58 : i32
      %add3A_60 = arith.addi %mul3A_2, %mul3A_59 : i32
      %min3A_61 = arith.constant 8380416 : i32
      %min3A_62 = arith.minsi %add3A_60, %min3A_61 : i32
      %dma_start3A_63 = tpu.memref_slice %arg2[%min3A_62] : memref<8388608xf32, #tpu.memory_space<hbm>> -> memref<8192xf32, #tpu.memory_space<hbm>>
      %dma_start3A_64 = tpu.memref_slice %arg2[%min3A_62] : memref<8388608xf32, #tpu.memory_space<hbm>> -> memref<8192xf32, #tpu.memory_space<hbm>>
      tpu.enqueue_dma source(%dma_start3A_64 : memref<8192xf32, #tpu.memory_space<hbm>>) target(%arg8 : memref<8192xf32, #tpu.memory_space<vmem>>) target_semaphore(%arg14 : memref<!tpu.dma_semaphore, #tpu.memory_space<semaphore_mem>>)
      %dma_start3A_65 = tpu.memref_slice %arg3[%min3A_62] : memref<8388608xi32, #tpu.memory_space<hbm>> -> memref<8192xi32, #tpu.memory_space<hbm>>
      %dma_start3A_66 = tpu.memref_slice %arg3[%min3A_62] : memref<8388608xi32, #tpu.memory_space<hbm>> -> memref<8192xi32, #tpu.memory_space<hbm>>
      tpu.enqueue_dma source(%dma_start3A_66 : memref<8192xi32, #tpu.memory_space<hbm>>) target(%arg11 : memref<8192xi32, #tpu.memory_space<vmem>>) target_semaphore(%arg14 : memref<!tpu.dma_semaphore, #tpu.memory_space<semaphore_mem>>)
      %add3A_67 = arith.constant 0 : i32
      %add3A_68 = arith.addi %mul3A_2, %add3A_67 : i32
      %min3A_69 = arith.constant 8380416 : i32
      %min3A_70 = arith.minsi %add3A_68, %min3A_69 : i32
      %dma_wait3A_71 = tpu.memref_slice %arg2[%min3A_70] : memref<8388608xf32, #tpu.memory_space<hbm>> -> memref<8192xf32, #tpu.memory_space<hbm>>
      %dma_wait3A_72 = tpu.memref_slice %arg2[%min3A_70] : memref<8388608xf32, #tpu.memory_space<hbm>> -> memref<8192xf32, #tpu.memory_space<hbm>>
      tpu.wait_dma2 semaphore(%arg12 : memref<!tpu.dma_semaphore, #tpu.memory_space<semaphore_mem>>) src(%dma_wait3A_72 : memref<8192xf32, #tpu.memory_space<hbm>>) dst(%arg6 : memref<8192xf32, #tpu.memory_space<vmem>>)
      %dma_wait3A_73 = tpu.memref_slice %arg3[%min3A_70] : memref<8388608xi32, #tpu.memory_space<hbm>> -> memref<8192xi32, #tpu.memory_space<hbm>>
      %dma_wait3A_74 = tpu.memref_slice %arg3[%min3A_70] : memref<8388608xi32, #tpu.memory_space<hbm>> -> memref<8192xi32, #tpu.memory_space<hbm>>
      tpu.wait_dma2 semaphore(%arg12 : memref<!tpu.dma_semaphore, #tpu.memory_space<semaphore_mem>>) src(%dma_wait3A_74 : memref<8192xi32, #tpu.memory_space<hbm>>) dst(%arg9 : memref<8192xi32, #tpu.memory_space<vmem>>)
      %parallel_loop3A_75 = arith.constant 0 : i32
      %parallel_loop3A_76 = arith.constant 512 : i32
      %parallel_loop3A_77 = arith.constant 1 : i32
      scf.for %parallel_loop3A_126 = %parallel_loop3A_75 to %parallel_loop3A_76 step %parallel_loop3A_77  : i32 {
        %parallel_loop3A_127 = arith.constant 16 : i32
        %parallel_loop3A_128 = arith.muli %parallel_loop3A_126, %parallel_loop3A_127 : i32
        %parallel_loop3A_129 = arith.index_cast %parallel_loop3A_128 : i32 to index
        %parallel_loop3A_130 = tpu.vector_load %arg6[%parallel_loop3A_129] {strides = array<i32>} : memref<8192xf32, #tpu.memory_space<vmem>>, vector<16xf32>,
        %parallel_loop3A_131 = arith.index_cast %parallel_loop3A_128 : i32 to index
        %parallel_loop3A_132 = tpu.vector_load %arg9[%parallel_loop3A_131] {strides = array<i32>} : memref<8192xi32, #tpu.memory_space<vmem>>, vector<16xi32>,
        %parallel_loop3A_133 = arith.constant 6.553600e+04 : f32
        %parallel_loop3A_134 = vector.broadcast %parallel_loop3A_133 : f32 to vector<16xf32>
        %parallel_loop3A_135 = arith.mulf %parallel_loop3A_130, %parallel_loop3A_134 : vector<16xf32>
        %parallel_loop3A_136 = arith.constant 0x4B000000 : f32
        %parallel_loop3A_137 = vector.broadcast %parallel_loop3A_136 : f32 to vector<16xf32>
        %parallel_loop3A_138 = arith.addf %parallel_loop3A_135, %parallel_loop3A_137 : vector<16xf32>
        %parallel_loop3A_139 = vector.bitcast %parallel_loop3A_138 : vector<16xf32> to vector<16xi32>
        %parallel_loop3A_140 = arith.constant 65520 : i32
        %parallel_loop3A_141 = vector.broadcast %parallel_loop3A_140 : i32 to vector<16xi32>
        %parallel_loop3A_142 = arith.andi %parallel_loop3A_139, %parallel_loop3A_141 : vector<16xi32>
        %parallel_loop3A_143 = arith.ori %parallel_loop3A_142, %iota3A : vector<16xi32>
        %parallel_loop3A_144 = arith.sitofp %parallel_loop3A_132 : vector<16xi32> to vector<16xf32>
        %parallel_loop3A_145 = arith.subf %parallel_loop3A_130, %parallel_loop3A_144 : vector<16xf32>
        tpu.vector_store_idx %arg5[%parallel_loop3A_143], %parallel_loop3A_145 {add = true} : memref<65536xf32, #tpu.memory_space<vmem>>[vector<16xi32>], vector<16xf32>,
      } {sc.loop_unroll_factor = 8 : i64, sc.parallel_access}
      %add3A_78 = arith.constant 1 : i32
      %add3A_79 = arith.addi %mul3A_53, %add3A_78 : i32
      %add3A_80 = arith.constant 2 : i32
      %add3A_81 = arith.addi %add3A_79, %add3A_80 : i32
      %mul3A_82 = arith.constant 8192 : i32
      %mul3A_83 = arith.muli %add3A_81, %mul3A_82 : i32
      %add3A_84 = arith.addi %mul3A_2, %mul3A_83 : i32
      %min3A_85 = arith.constant 8380416 : i32
      %min3A_86 = arith.minsi %add3A_84, %min3A_85 : i32
      %dma_start3A_87 = tpu.memref_slice %arg2[%min3A_86] : memref<8388608xf32, #tpu.memory_space<hbm>> -> memref<8192xf32, #tpu.memory_space<hbm>>
      %dma_start3A_88 = tpu.memref_slice %arg2[%min3A_86] : memref<8388608xf32, #tpu.memory_space<hbm>> -> memref<8192xf32, #tpu.memory_space<hbm>>
      tpu.enqueue_dma source(%dma_start3A_88 : memref<8192xf32, #tpu.memory_space<hbm>>) target(%arg6 : memref<8192xf32, #tpu.memory_space<vmem>>) target_semaphore(%arg12 : memref<!tpu.dma_semaphore, #tpu.memory_space<semaphore_mem>>)
      %dma_start3A_89 = tpu.memref_slice %arg3[%min3A_86] : memref<8388608xi32, #tpu.memory_space<hbm>> -> memref<8192xi32, #tpu.memory_space<hbm>>
      %dma_start3A_90 = tpu.memref_slice %arg3[%min3A_86] : memref<8388608xi32, #tpu.memory_space<hbm>> -> memref<8192xi32, #tpu.memory_space<hbm>>
      tpu.enqueue_dma source(%dma_start3A_90 : memref<8192xi32, #tpu.memory_space<hbm>>) target(%arg9 : memref<8192xi32, #tpu.memory_space<vmem>>) target_semaphore(%arg12 : memref<!tpu.dma_semaphore, #tpu.memory_space<semaphore_mem>>)
      %add3A_91 = arith.constant 0 : i32
      %add3A_92 = arith.addi %mul3A_2, %add3A_91 : i32
      %min3A_93 = arith.constant 8380416 : i32
      %min3A_94 = arith.minsi %add3A_92, %min3A_93 : i32
      %dma_wait3A_95 = tpu.memref_slice %arg2[%min3A_94] : memref<8388608xf32, #tpu.memory_space<hbm>> -> memref<8192xf32, #tpu.memory_space<hbm>>
      %dma_wait3A_96 = tpu.memref_slice %arg2[%min3A_94] : memref<8388608xf32, #tpu.memory_space<hbm>> -> memref<8192xf32, #tpu.memory_space<hbm>>
      tpu.wait_dma2 semaphore(%arg13 : memref<!tpu.dma_semaphore, #tpu.memory_space<semaphore_mem>>) src(%dma_wait3A_96 : memref<8192xf32, #tpu.memory_space<hbm>>) dst(%arg7 : memref<8192xf32, #tpu.memory_space<vmem>>)
      %dma_wait3A_97 = tpu.memref_slice %arg3[%min3A_94] : memref<8388608xi32, #tpu.memory_space<hbm>> -> memref<8192xi32, #tpu.memory_space<hbm>>
      %dma_wait3A_98 = tpu.memref_slice %arg3[%min3A_94] : memref<8388608xi32, #tpu.memory_space<hbm>> -> memref<8192xi32, #tpu.memory_space<hbm>>
      tpu.wait_dma2 semaphore(%arg13 : memref<!tpu.dma_semaphore, #tpu.memory_space<semaphore_mem>>) src(%dma_wait3A_98 : memref<8192xi32, #tpu.memory_space<hbm>>) dst(%arg10 : memref<8192xi32, #tpu.memory_space<vmem>>)
      %parallel_loop3A_99 = arith.constant 0 : i32
      %parallel_loop3A_100 = arith.constant 512 : i32
      %parallel_loop3A_101 = arith.constant 1 : i32
      scf.for %parallel_loop3A_126 = %parallel_loop3A_99 to %parallel_loop3A_100 step %parallel_loop3A_101  : i32 {
        %parallel_loop3A_127 = arith.constant 16 : i32
        %parallel_loop3A_128 = arith.muli %parallel_loop3A_126, %parallel_loop3A_127 : i32
        %parallel_loop3A_129 = arith.index_cast %parallel_loop3A_128 : i32 to index
        %parallel_loop3A_130 = tpu.vector_load %arg7[%parallel_loop3A_129] {strides = array<i32>} : memref<8192xf32, #tpu.memory_space<vmem>>, vector<16xf32>,
        %parallel_loop3A_131 = arith.index_cast %parallel_loop3A_128 : i32 to index
        %parallel_loop3A_132 = tpu.vector_load %arg10[%parallel_loop3A_131] {strides = array<i32>} : memref<8192xi32, #tpu.memory_space<vmem>>, vector<16xi32>,
        %parallel_loop3A_133 = arith.constant 6.553600e+04 : f32
        %parallel_loop3A_134 = vector.broadcast %parallel_loop3A_133 : f32 to vector<16xf32>
        %parallel_loop3A_135 = arith.mulf %parallel_loop3A_130, %parallel_loop3A_134 : vector<16xf32>
        %parallel_loop3A_136 = arith.constant 0x4B000000 : f32
        %parallel_loop3A_137 = vector.broadcast %parallel_loop3A_136 : f32 to vector<16xf32>
        %parallel_loop3A_138 = arith.addf %parallel_loop3A_135, %parallel_loop3A_137 : vector<16xf32>
        %parallel_loop3A_139 = vector.bitcast %parallel_loop3A_138 : vector<16xf32> to vector<16xi32>
        %parallel_loop3A_140 = arith.constant 65520 : i32
        %parallel_loop3A_141 = vector.broadcast %parallel_loop3A_140 : i32 to vector<16xi32>
        %parallel_loop3A_142 = arith.andi %parallel_loop3A_139, %parallel_loop3A_141 : vector<16xi32>
        %parallel_loop3A_143 = arith.ori %parallel_loop3A_142, %iota3A : vector<16xi32>
        %parallel_loop3A_144 = arith.sitofp %parallel_loop3A_132 : vector<16xi32> to vector<16xf32>
        %parallel_loop3A_145 = arith.subf %parallel_loop3A_130, %parallel_loop3A_144 : vector<16xf32>
        tpu.vector_store_idx %arg5[%parallel_loop3A_143], %parallel_loop3A_145 {add = true} : memref<65536xf32, #tpu.memory_space<vmem>>[vector<16xi32>], vector<16xf32>,
      } {sc.loop_unroll_factor = 8 : i64, sc.parallel_access}
      %add3A_102 = arith.constant 2 : i32
      %add3A_103 = arith.addi %mul3A_53, %add3A_102 : i32
      %add3A_104 = arith.constant 2 : i32
      %add3A_105 = arith.addi %add3A_103, %add3A_104 : i32
      %mul3A_106 = arith.constant 8192 : i32
      %mul3A_107 = arith.muli %add3A_105, %mul3A_106 : i32
      %add3A_108 = arith.addi %mul3A_2, %mul3A_107 : i32
      %min3A_109 = arith.constant 8380416 : i32
      %min3A_110 = arith.minsi %add3A_108, %min3A_109 : i32
      %dma_start3A_111 = tpu.memref_slice %arg2[%min3A_110] : memref<8388608xf32, #tpu.memory_space<hbm>> -> memref<8192xf32, #tpu.memory_space<hbm>>
      %dma_start3A_112 = tpu.memref_slice %arg2[%min3A_110] : memref<8388608xf32, #tpu.memory_space<hbm>> -> memref<8192xf32, #tpu.memory_space<hbm>>
      tpu.enqueue_dma source(%dma_start3A_112 : memref<8192xf32, #tpu.memory_space<hbm>>) target(%arg7 : memref<8192xf32, #tpu.memory_space<vmem>>) target_semaphore(%arg13 : memref<!tpu.dma_semaphore, #tpu.memory_space<semaphore_mem>>)
      %dma_start3A_113 = tpu.memref_slice %arg3[%min3A_110] : memref<8388608xi32, #tpu.memory_space<hbm>> -> memref<8192xi32, #tpu.memory_space<hbm>>
      %dma_start3A_114 = tpu.memref_slice %arg3[%min3A_110] : memref<8388608xi32, #tpu.memory_space<hbm>> -> memref<8192xi32, #tpu.memory_space<hbm>>
      tpu.enqueue_dma source(%dma_start3A_114 : memref<8192xi32, #tpu.memory_space<hbm>>) target(%arg10 : memref<8192xi32, #tpu.memory_space<vmem>>) target_semaphore(%arg13 : memref<!tpu.dma_semaphore, #tpu.memory_space<semaphore_mem>>)
      %add3A_115 = arith.constant 0 : i32
      %add3A_116 = arith.addi %mul3A_2, %add3A_115 : i32
      %min3A_117 = arith.constant 8380416 : i32
      %min3A_118 = arith.minsi %add3A_116, %min3A_117 : i32
      %dma_wait3A_119 = tpu.memref_slice %arg2[%min3A_118] : memref<8388608xf32, #tpu.memory_space<hbm>> -> memref<8192xf32, #tpu.memory_space<hbm>>
      %dma_wait3A_120 = tpu.memref_slice %arg2[%min3A_118] : memref<8388608xf32, #tpu.memory_space<hbm>> -> memref<8192xf32, #tpu.memory_space<hbm>>
      tpu.wait_dma2 semaphore(%arg14 : memref<!tpu.dma_semaphore, #tpu.memory_space<semaphore_mem>>) src(%dma_wait3A_120 : memref<8192xf32, #tpu.memory_space<hbm>>) dst(%arg8 : memref<8192xf32, #tpu.memory_space<vmem>>)
      %dma_wait3A_121 = tpu.memref_slice %arg3[%min3A_118] : memref<8388608xi32, #tpu.memory_space<hbm>> -> memref<8192xi32, #tpu.memory_space<hbm>>
      %dma_wait3A_122 = tpu.memref_slice %arg3[%min3A_118] : memref<8388608xi32, #tpu.memory_space<hbm>> -> memref<8192xi32, #tpu.memory_space<hbm>>
      tpu.wait_dma2 semaphore(%arg14 : memref<!tpu.dma_semaphore, #tpu.memory_space<semaphore_mem>>) src(%dma_wait3A_122 : memref<8192xi32, #tpu.memory_space<hbm>>) dst(%arg11 : memref<8192xi32, #tpu.memory_space<vmem>>)
      %parallel_loop3A_123 = arith.constant 0 : i32
      %parallel_loop3A_124 = arith.constant 512 : i32
      %parallel_loop3A_125 = arith.constant 1 : i32
      scf.for %parallel_loop3A_126 = %parallel_loop3A_123 to %parallel_loop3A_124 step %parallel_loop3A_125  : i32 {
        %parallel_loop3A_127 = arith.constant 16 : i32
        %parallel_loop3A_128 = arith.muli %parallel_loop3A_126, %parallel_loop3A_127 : i32
        %parallel_loop3A_129 = arith.index_cast %parallel_loop3A_128 : i32 to index
        %parallel_loop3A_130 = tpu.vector_load %arg8[%parallel_loop3A_129] {strides = array<i32>} : memref<8192xf32, #tpu.memory_space<vmem>>, vector<16xf32>,
        %parallel_loop3A_131 = arith.index_cast %parallel_loop3A_128 : i32 to index
        %parallel_loop3A_132 = tpu.vector_load %arg11[%parallel_loop3A_131] {strides = array<i32>} : memref<8192xi32, #tpu.memory_space<vmem>>, vector<16xi32>,
        %parallel_loop3A_133 = arith.constant 6.553600e+04 : f32
        %parallel_loop3A_134 = vector.broadcast %parallel_loop3A_133 : f32 to vector<16xf32>
        %parallel_loop3A_135 = arith.mulf %parallel_loop3A_130, %parallel_loop3A_134 : vector<16xf32>
        %parallel_loop3A_136 = arith.constant 0x4B000000 : f32
        %parallel_loop3A_137 = vector.broadcast %parallel_loop3A_136 : f32 to vector<16xf32>
        %parallel_loop3A_138 = arith.addf %parallel_loop3A_135, %parallel_loop3A_137 : vector<16xf32>
        %parallel_loop3A_139 = vector.bitcast %parallel_loop3A_138 : vector<16xf32> to vector<16xi32>
        %parallel_loop3A_140 = arith.constant 65520 : i32
        %parallel_loop3A_141 = vector.broadcast %parallel_loop3A_140 : i32 to vector<16xi32>
        %parallel_loop3A_142 = arith.andi %parallel_loop3A_139, %parallel_loop3A_141 : vector<16xi32>
        %parallel_loop3A_143 = arith.ori %parallel_loop3A_142, %iota3A : vector<16xi32>
        %parallel_loop3A_144 = arith.sitofp %parallel_loop3A_132 : vector<16xi32> to vector<16xf32>
        %parallel_loop3A_145 = arith.subf %parallel_loop3A_130, %parallel_loop3A_144 : vector<16xf32>
        tpu.vector_store_idx %arg5[%parallel_loop3A_143], %parallel_loop3A_145 {add = true} : memref<65536xf32, #tpu.memory_space<vmem>>[vector<16xi32>], vector<16xf32>,
      } {sc.loop_unroll_factor = 8 : i64, sc.parallel_access}
    }
    %scan3A_28 = arith.constant 10 : i32
    %add3A_29 = arith.constant 0 : i32
    %add3A_30 = arith.addi %mul3A_2, %add3A_29 : i32
    %min3A_31 = arith.constant 8380416 : i32
    %min3A_32 = arith.minsi %add3A_30, %min3A_31 : i32
    %dma_wait3A = tpu.memref_slice %arg2[%min3A_32] : memref<8388608xf32, #tpu.memory_space<hbm>> -> memref<8192xf32, #tpu.memory_space<hbm>>
    %dma_wait3A_33 = tpu.memref_slice %arg2[%min3A_32] : memref<8388608xf32, #tpu.memory_space<hbm>> -> memref<8192xf32, #tpu.memory_space<hbm>>
    tpu.wait_dma2 semaphore(%arg12 : memref<!tpu.dma_semaphore, #tpu.memory_space<semaphore_mem>>) src(%dma_wait3A_33 : memref<8192xf32, #tpu.memory_space<hbm>>) dst(%arg6 : memref<8192xf32, #tpu.memory_space<vmem>>)
    %dma_wait3A_34 = tpu.memref_slice %arg3[%min3A_32] : memref<8388608xi32, #tpu.memory_space<hbm>> -> memref<8192xi32, #tpu.memory_space<hbm>>
    %dma_wait3A_35 = tpu.memref_slice %arg3[%min3A_32] : memref<8388608xi32, #tpu.memory_space<hbm>> -> memref<8192xi32, #tpu.memory_space<hbm>>
    tpu.wait_dma2 semaphore(%arg12 : memref<!tpu.dma_semaphore, #tpu.memory_space<semaphore_mem>>) src(%dma_wait3A_35 : memref<8192xi32, #tpu.memory_space<hbm>>) dst(%arg9 : memref<8192xi32, #tpu.memory_space<vmem>>)
    %parallel_loop3A = arith.constant 0 : i32
    %parallel_loop3A_36 = arith.constant 512 : i32
    %parallel_loop3A_37 = arith.constant 1 : i32
    scf.for %parallel_loop3A_51 = %parallel_loop3A to %parallel_loop3A_36 step %parallel_loop3A_37  : i32 {
      %parallel_loop3A_52 = arith.constant 16 : i32
      %parallel_loop3A_53 = arith.muli %parallel_loop3A_51, %parallel_loop3A_52 : i32
      %parallel_loop3A_54 = arith.index_cast %parallel_loop3A_53 : i32 to index
      %parallel_loop3A_55 = tpu.vector_load %arg6[%parallel_loop3A_54] {strides = array<i32>} : memref<8192xf32, #tpu.memory_space<vmem>>, vector<16xf32>,
      %parallel_loop3A_56 = arith.index_cast %parallel_loop3A_53 : i32 to index
      %parallel_loop3A_57 = tpu.vector_load %arg9[%parallel_loop3A_56] {strides = array<i32>} : memref<8192xi32, #tpu.memory_space<vmem>>, vector<16xi32>,
      %parallel_loop3A_58 = arith.constant 6.553600e+04 : f32
      %parallel_loop3A_59 = vector.broadcast %parallel_loop3A_58 : f32 to vector<16xf32>
      %parallel_loop3A_60 = arith.mulf %parallel_loop3A_55, %parallel_loop3A_59 : vector<16xf32>
      %parallel_loop3A_61 = arith.constant 0x4B000000 : f32
      %parallel_loop3A_62 = vector.broadcast %parallel_loop3A_61 : f32 to vector<16xf32>
      %parallel_loop3A_63 = arith.addf %parallel_loop3A_60, %parallel_loop3A_62 : vector<16xf32>
      %parallel_loop3A_64 = vector.bitcast %parallel_loop3A_63 : vector<16xf32> to vector<16xi32>
      %parallel_loop3A_65 = arith.constant 65520 : i32
      %parallel_loop3A_66 = vector.broadcast %parallel_loop3A_65 : i32 to vector<16xi32>
      %parallel_loop3A_67 = arith.andi %parallel_loop3A_64, %parallel_loop3A_66 : vector<16xi32>
      %parallel_loop3A_68 = arith.ori %parallel_loop3A_67, %iota3A : vector<16xi32>
      %parallel_loop3A_69 = arith.sitofp %parallel_loop3A_57 : vector<16xi32> to vector<16xf32>
      %parallel_loop3A_70 = arith.subf %parallel_loop3A_55, %parallel_loop3A_69 : vector<16xf32>
      tpu.vector_store_idx %arg5[%parallel_loop3A_68], %parallel_loop3A_70 {add = true} : memref<65536xf32, #tpu.memory_space<vmem>>[vector<16xi32>], vector<16xf32>,
    } {sc.loop_unroll_factor = 8 : i64, sc.parallel_access}
    %add3A_38 = arith.constant 0 : i32
    %add3A_39 = arith.addi %mul3A_2, %add3A_38 : i32
    %min3A_40 = arith.constant 8380416 : i32
    %min3A_41 = arith.minsi %add3A_39, %min3A_40 : i32
    %dma_wait3A_42 = tpu.memref_slice %arg2[%min3A_41] : memref<8388608xf32, #tpu.memory_space<hbm>> -> memref<8192xf32, #tpu.memory_space<hbm>>
    %dma_wait3A_43 = tpu.memref_slice %arg2[%min3A_41] : memref<8388608xf32, #tpu.memory_space<hbm>> -> memref<8192xf32, #tpu.memory_space<hbm>>
    tpu.wait_dma2 semaphore(%arg13 : memref<!tpu.dma_semaphore, #tpu.memory_space<semaphore_mem>>) src(%dma_wait3A_43 : memref<8192xf32, #tpu.memory_space<hbm>>) dst(%arg7 : memref<8192xf32, #tpu.memory_space<vmem>>)
    %dma_wait3A_44 = tpu.memref_slice %arg3[%min3A_41] : memref<8388608xi32, #tpu.memory_space<hbm>> -> memref<8192xi32, #tpu.memory_space<hbm>>
    %dma_wait3A_45 = tpu.memref_slice %arg3[%min3A_41] : memref<8388608xi32, #tpu.memory_space<hbm>> -> memref<8192xi32, #tpu.memory_space<hbm>>
    tpu.wait_dma2 semaphore(%arg13 : memref<!tpu.dma_semaphore, #tpu.memory_space<semaphore_mem>>) src(%dma_wait3A_45 : memref<8192xi32, #tpu.memory_space<hbm>>) dst(%arg10 : memref<8192xi32, #tpu.memory_space<vmem>>)
    %parallel_loop3A_46 = arith.constant 0 : i32
    %parallel_loop3A_47 = arith.constant 512 : i32
    %parallel_loop3A_48 = arith.constant 1 : i32
    scf.for %parallel_loop3A_51 = %parallel_loop3A_46 to %parallel_loop3A_47 step %parallel_loop3A_48  : i32 {
      %parallel_loop3A_52 = arith.constant 16 : i32
      %parallel_loop3A_53 = arith.muli %parallel_loop3A_51, %parallel_loop3A_52 : i32
      %parallel_loop3A_54 = arith.index_cast %parallel_loop3A_53 : i32 to index
      %parallel_loop3A_55 = tpu.vector_load %arg7[%parallel_loop3A_54] {strides = array<i32>} : memref<8192xf32, #tpu.memory_space<vmem>>, vector<16xf32>,
      %parallel_loop3A_56 = arith.index_cast %parallel_loop3A_53 : i32 to index
      %parallel_loop3A_57 = tpu.vector_load %arg10[%parallel_loop3A_56] {strides = array<i32>} : memref<8192xi32, #tpu.memory_space<vmem>>, vector<16xi32>,
      %parallel_loop3A_58 = arith.constant 6.553600e+04 : f32
      %parallel_loop3A_59 = vector.broadcast %parallel_loop3A_58 : f32 to vector<16xf32>
      %parallel_loop3A_60 = arith.mulf %parallel_loop3A_55, %parallel_loop3A_59 : vector<16xf32>
      %parallel_loop3A_61 = arith.constant 0x4B000000 : f32
      %parallel_loop3A_62 = vector.broadcast %parallel_loop3A_61 : f32 to vector<16xf32>
      %parallel_loop3A_63 = arith.addf %parallel_loop3A_60, %parallel_loop3A_62 : vector<16xf32>
      %parallel_loop3A_64 = vector.bitcast %parallel_loop3A_63 : vector<16xf32> to vector<16xi32>
      %parallel_loop3A_65 = arith.constant 65520 : i32
      %parallel_loop3A_66 = vector.broadcast %parallel_loop3A_65 : i32 to vector<16xi32>
      %parallel_loop3A_67 = arith.andi %parallel_loop3A_64, %parallel_loop3A_66 : vector<16xi32>
      %parallel_loop3A_68 = arith.ori %parallel_loop3A_67, %iota3A : vector<16xi32>
      %parallel_loop3A_69 = arith.sitofp %parallel_loop3A_57 : vector<16xi32> to vector<16xf32>
      %parallel_loop3A_70 = arith.subf %parallel_loop3A_55, %parallel_loop3A_69 : vector<16xf32>
      tpu.vector_store_idx %arg5[%parallel_loop3A_68], %parallel_loop3A_70 {add = true} : memref<65536xf32, #tpu.memory_space<vmem>>[vector<16xi32>], vector<16xf32>,
    } {sc.loop_unroll_factor = 8 : i64, sc.parallel_access}
    %mul3A_49 = arith.constant 65536 : i32
    %mul3A_50 = arith.muli %add3A, %mul3A_49 : i32
    "tpu.region"() ({
      %run_scoped3A = tpu.sem_alloc : memref<!tpu.dma_semaphore, #tpu.memory_space<semaphore_mem>>
      %dma_start3A_51 = tpu.memref_slice %arg4[%mul3A_50] : memref<2097152xf32, #tpu.memory_space<hbm>> -> memref<65536xf32, #tpu.memory_space<hbm>>
      %dma_start3A_52 = tpu.memref_slice %arg4[%mul3A_50] : memref<2097152xf32, #tpu.memory_space<hbm>> -> memref<65536xf32, #tpu.memory_space<hbm>>
      tpu.enqueue_dma source(%arg5 : memref<65536xf32, #tpu.memory_space<vmem>>) target(%dma_start3A_52 : memref<65536xf32, #tpu.memory_space<hbm>>) target_semaphore(%run_scoped3A : memref<!tpu.dma_semaphore, #tpu.memory_space<semaphore_mem>>)
      %dma_wait3A_53 = tpu.memref_slice %arg4[%mul3A_50] : memref<2097152xf32, #tpu.memory_space<hbm>> -> memref<65536xf32, #tpu.memory_space<hbm>>
      %dma_wait3A_54 = tpu.memref_slice %arg4[%mul3A_50] : memref<2097152xf32, #tpu.memory_space<hbm>> -> memref<65536xf32, #tpu.memory_space<hbm>>
      tpu.wait_dma2 semaphore(%run_scoped3A : memref<!tpu.dma_semaphore, #tpu.memory_space<semaphore_mem>>) src(%arg5 : memref<65536xf32, #tpu.memory_space<vmem>>) dst(%dma_wait3A_54 : memref<65536xf32, #tpu.memory_space<hbm>>)
      tpu.yield
    }) : () -> ()
    return
  }
}

module attributes {stable_mosaic.version = 14 : i64} {
  func.func @_tc_finish_body(%arg0: memref<32x512x128xf32, #tpu.memory_space<vmem>>, %arg1: memref<1x1xf32, #tpu.memory_space<vmem>>) attributes {dimension_semantics = [], scalar_prefetch = 0 : i64, scratch_operands = 0 : i64, tpu.core_type = #tpu.core_type<tc>} {
    %get3A = arith.constant 0 : index
    %get3A_0 = arith.constant 0 : index
    %get3A_1 = arith.constant 0 : index
    %get3A_2 = vector.load %arg0[%get3A, %get3A_0, %get3A_1] : memref<32x512x128xf32, #tpu.memory_space<vmem>>, vector<32x512x128xf32>
    %reduce_sum3A = arith.constant dense<0.000000e+00> : vector<512x128xf32>
    %reduce_sum3A_3 = vector.multi_reduction <add>, %get3A_2, %reduce_sum3A [0] : vector<32x512x128xf32> to vector<512x128xf32>
    %iota3A = tpu.iota {dimensions = array<i32: 0>} : vector<128x8xi32>
    %iota3A_4 = tpu.iota {dimensions = array<i32: 1>} : vector<128x8xi32>
    %jit3A = arith.constant 16 : i32
    %div3A = vector.broadcast %jit3A : i32 to vector<128x8xi32>
    %div3A_5 = arith.divsi %iota3A, %div3A : vector<128x8xi32>
    %sign3A = arith.constant 0 : i32
    %sign3A_6 = vector.broadcast %sign3A : i32 to vector<128x8xi32>
    %sign3A_7 = arith.cmpi sgt, %iota3A, %sign3A_6 : vector<128x8xi32>
    %sign3A_8 = arith.extui %sign3A_7 : vector<128x8xi1> to vector<128x8xi32>
    %sign3A_9 = arith.constant 0 : i32
    %sign3A_10 = vector.broadcast %sign3A_9 : i32 to vector<128x8xi32>
    %sign3A_11 = arith.cmpi slt, %iota3A, %sign3A_10 : vector<128x8xi32>
    %sign3A_12 = arith.extui %sign3A_11 : vector<128x8xi1> to vector<128x8xi32>
    %sign3A_13 = arith.subi %sign3A_8, %sign3A_12 : vector<128x8xi32>
    %sign3A_14 = arith.constant 0 : i32
    %sign3A_15 = arith.cmpi sgt, %jit3A, %sign3A_14 : i32
    %sign3A_16 = arith.extui %sign3A_15 : i1 to i32
    %sign3A_17 = arith.constant 0 : i32
    %sign3A_18 = arith.cmpi slt, %jit3A, %sign3A_17 : i32
    %sign3A_19 = arith.extui %sign3A_18 : i1 to i32
    %sign3A_20 = arith.subi %sign3A_16, %sign3A_19 : i32
    %ne3A = vector.broadcast %sign3A_20 : i32 to vector<128x8xi32>
    %ne3A_21 = arith.cmpi ne, %sign3A_13, %ne3A : vector<128x8xi32>
    %rem3A = vector.broadcast %jit3A : i32 to vector<128x8xi32>
    %rem3A_22 = arith.remsi %iota3A, %rem3A : vector<128x8xi32>
    %ne3A_23 = arith.constant 0 : i32
    %ne3A_24 = vector.broadcast %ne3A_23 : i32 to vector<128x8xi32>
    %ne3A_25 = arith.cmpi ne, %rem3A_22, %ne3A_24 : vector<128x8xi32>
    %and3A = arith.andi %ne3A_21, %ne3A_25 : vector<128x8xi1>
    %sub3A = arith.constant 1 : i32
    %sub3A_26 = vector.broadcast %sub3A : i32 to vector<128x8xi32>
    %sub3A_27 = arith.subi %div3A_5, %sub3A_26 : vector<128x8xi32>
    %select_n3A = arith.select %and3A, %sub3A_27, %div3A_5 : vector<128x8xi1>, vector<128x8xi32>
    %eq3A = arith.cmpi eq, %select_n3A, %iota3A_4 : vector<128x8xi32>
    %convert_element_type3A = arith.extui %eq3A : vector<128x8xi1> to vector<128x8xi32>
    %convert_element_type3A_28 = arith.sitofp %convert_element_type3A : vector<128x8xi32> to vector<128x8xf32>
    %dot_general3A = arith.constant dense<0.000000e+00> : vector<512x8xf32>
    %dot_general3A_29 = tpu.matmul %reduce_sum3A_3, %convert_element_type3A_28, %dot_general3A {dimension_numbers = #tpu.dot_dimension_numbers<[1], [0], [0], [1], [0, 0, 1, 1], [], []>, transpose_lhs_hint = false} : vector<512x128xf32>, vector<128x8xf32>, vector<512x8xf32> -> vector<512x8xf32>
    %iota3A_30 = tpu.iota {dimensions = array<i32: 0>} : vector<8x8xi32>
    %iota3A_31 = tpu.iota {dimensions = array<i32: 1>} : vector<8x8xi32>
    %le3A = arith.cmpi sle, %iota3A_30, %iota3A_31 : vector<8x8xi32>
    %convert_element_type3A_32 = arith.extui %le3A : vector<8x8xi1> to vector<8x8xi32>
    %convert_element_type3A_33 = arith.sitofp %convert_element_type3A_32 : vector<8x8xi32> to vector<8x8xf32>
    %dot_general3A_34 = arith.constant dense<0.000000e+00> : vector<512x8xf32>
    %dot_general3A_35 = tpu.matmul %dot_general3A_29, %convert_element_type3A_33, %dot_general3A_34 {dimension_numbers = #tpu.dot_dimension_numbers<[1], [0], [0], [1], [0, 0, 1, 1], [], []>, transpose_lhs_hint = false} : vector<512x8xf32>, vector<8x8xf32>, vector<512x8xf32> -> vector<512x8xf32>
    %reduce_sum3A_36 = arith.constant dense<0.000000e+00> : vector<512xf32>
    %reduce_sum3A_37 = vector.multi_reduction <add>, %reduce_sum3A_3, %reduce_sum3A_36 [1] : vector<512x128xf32> to vector<512xf32>
    %broadcast_in_dim3A = vector.shape_cast %reduce_sum3A_37 : vector<512xf32> to vector<512x1xf32>
    %iota3A_38 = tpu.iota {dimensions = array<i32: 0>} : vector<512x512xi32>
    %iota3A_39 = tpu.iota {dimensions = array<i32: 1>} : vector<512x512xi32>
    %lt3A = arith.cmpi slt, %iota3A_39, %iota3A_38 : vector<512x512xi32>
    %convert_element_type3A_40 = arith.extui %lt3A : vector<512x512xi1> to vector<512x512xi32>
    %convert_element_type3A_41 = arith.sitofp %convert_element_type3A_40 : vector<512x512xi32> to vector<512x512xf32>
    %dot_general3A_42 = arith.constant dense<0.000000e+00> : vector<512x1xf32>
    %dot_general3A_43 = tpu.matmul %convert_element_type3A_41, %broadcast_in_dim3A, %dot_general3A_42 {dimension_numbers = #tpu.dot_dimension_numbers<[1], [0], [0], [1], [0, 0, 1, 1], [], []>, transpose_lhs_hint = false} : vector<512x512xf32>, vector<512x1xf32>, vector<512x1xf32> -> vector<512x1xf32>
    %add3A = vector.broadcast %dot_general3A_43 : vector<512x1xf32> to vector<512x8xf32>
    %add3A_44 = arith.addf %dot_general3A_35, %add3A : vector<512x8xf32>
    %abs3A = math.absf %add3A_44 : vector<512x8xf32>
    %reduce_max3A = vector.shape_cast %abs3A : vector<512x8xf32> to vector<1x512x8xf32>
    %reduce_max3A_45 = arith.constant dense<0xFF800000> : vector<1xf32>
    %reduce_max3A_46 = vector.multi_reduction <maximumf>, %reduce_max3A, %reduce_max3A_45 [1, 2] : vector<1x512x8xf32> to vector<1xf32>
    %reduce_max3A_47 = vector.shape_cast %reduce_max3A_46 : vector<1xf32> to vector<1x1x1xf32>
    %reduce_max3A_48 = vector.extract %reduce_max3A_47[0, 0, 0] : f32 from vector<1x1x1xf32>
    %broadcast_in_dim3A_49 = vector.broadcast %reduce_max3A_48 : f32 to vector<1x1xf32>
    %mul3A = arith.constant 1.1920929E-7 : f32
    %mul3A_50 = vector.broadcast %mul3A : f32 to vector<1x1xf32>
    %mul3A_51 = arith.mulf %broadcast_in_dim3A_49, %mul3A_50 : vector<1x1xf32>
    %swap3A = arith.constant 0 : index
    %swap3A_52 = arith.constant 0 : index
    %swap3A_53 = vector.load %arg1[%swap3A, %swap3A_52] : memref<1x1xf32, #tpu.memory_space<vmem>>, vector<1x1xf32>
    tpu.vector_store %arg1[%swap3A, %swap3A_52], %mul3A_51 {strides = array<i32>} : memref<1x1xf32, #tpu.memory_space<vmem>>, vector<1x1xf32>,
    return
  }
}

</mosaic_0001>

<sc_bundles>
// kernel: kernel.4.cloned.1.call-start
scs
__scs_entry_jumppad:
0x0: {  	(pc) =	sbr.rel $0x88, $3  }
0x1: {  	(tag) =	ssettag $0x0;
	lr =	simm.s32 $0x1  }
0x2: {  	[smem:$0x3F9F] =	sst lr;
	_ =	strace $0xD0000000  }
0x3: {  	_ = 	snop  }
0x4: {  	_ = 	snop  }
0x5: {  	_ = 	snop  }
0x6: {  	_ = 	snop  }
0x7: {  	_ = 	snop  }
__scs_overlays_trampoline_lowered:
0x8: {  	[smem:$0x3FAE] =	sst s0  }
0x9: {  	[smem:$0x3FAF] =	sst s1  }
0xa: {  	[smem:$0x3FB0] =	sst s2  }
0xb: {  	[smem:$0x3FB1] =	sst s3  }
0xc: {  	[smem:$0x3FB2] =	sst s4  }
0xd: {  	[smem:$0x3FB3] =	sst s5  }
0xe: {  	[smem:$0x3FB4] =	sst s6  }
0xf: {  	[smem:$0x3FB5] =	sst s7  }
0x10: {  	[smem:$0x3FB6] =	sst s8  }
0x11: {  	[smem:$0x3FB7] =	sst s9;
	s0 =	simm.s32 @!p0 $0x0  }
0x12: {  	s1 =	sld [smem:$0x3F9D];
	s0 =	simm.s32 @p0 $0x1  }
0x13: {  	[smem:$0x3FB8] =	sst s0;
	s0 =	simm.s32 @!p1 $0x0  }
0x14: {  	s2 =	sld [smem:$0x3F9C];
	s0 =	simm.s32 @p1 $0x1  }
0x15: {  	[smem:$0x3FB9] =	sst s0;
	s0 =	simm.s32 @!p2 $0x0  }
0x16: {  	s3 =	sld [smem:$0x3FDB];
	s0 =	simm.s32 @p2 $0x1  }
0x17: {  	s4 =	simm.s32 $0x1BF5;
	[smem:$0x3FBB] =	sst s0  }
0x18: {  	s0 =	sld [smem:$0x3F9E];
	_ =	swait.ge [sflag:s4], $0x0  }
0x19: {  	s7 =	sld [smem:$0x3F9F]  }
0x1a: {  	s8 =	sadd.s32 $0xFFFFE003, lr  }
0x1b: {  	s9 =	sadd.s32 $0xFFFFFEF7, lr;
	s5 =	simm.s32 $0xFFFFFFFF;
	p2 =	slt.u32 s8, $0xFFFFF086  }
0x1c: {  	p1 =	slt.u32 s9, $0xF7A;
	s5 =	simm.s32 @!p2 $0x0  }
0x1d: {  	s5 =	simm.s32 @p1 $0x1;
	p0 =	seq.s32 s7, s2  }
0x1e: {  	s7 =	smul.u32 @!p0 $0xF7A, s2;
	p2 =	seq.s32 @!p0 s5, $0x0  }
0x1f: {  	s9 =	smul.u32 $0xF7A, s1;
	s8 =	simm.s32 @!p0 $0x1BF5;
	p2 =	por !p2, p0  }
0x20: {  	[sflag:s8] =	ssyncset.s32 @!p0 $0xFFFFF086;
	s6 =	sadd.s32 @!p0 s3, s7;
	s7 =	simm.s32 @!p0 $0x108  }
0x21: {  	s3 =	sadd.s32 s3, s9;
	s6 =	sadd.s32 @!p0 $0x88, s6;
	s7 =	simm.s32 @p2 $0x1082  }
0x22: {  	[simem:s7], [sflag:s8] =	dma.local @!p0 [hbm:s6], $0xF7A  }
0x23: {  	s9 =	sor.u32 $0xD0000000, s2;
	s6 =	simm.s32 $0x108;
	_ =	swait.ge @!p0 [sflag:s8], $0x0  }
0x24: {  	s3 =	sadd.s32 $0x88, s3;
	s6 =	simm.s32 @!p1 $0x1082;
	[sflag:s4] =	ssyncset.s32 $0xFFFFF086  }
0x25: {  	[simem:s6], [sflag:s4] =	dma.local [hbm:s3], $0xF7A  }
0x26: {  	[smem:$0x3F9F] =	sst s1;
	(tag) =	ssettag s2;
	_ =	strace s9  }
0x27: {  	s1 =	sld [smem:$0x3FAF]  }
0x28: {  	s2 =	sld [smem:$0x3FB0]  }
0x29: {  	s4 =	sld [smem:$0x3FB2]  }
0x2a: {  	p0 =	seq.s32 s5, $0x0;
	s5 =	sld [smem:$0x3FB3]  }
0x2b: {  	s6 =	sld [smem:$0x3FB4]  }
0x2c: {  	s7 =	sld [smem:$0x3FB5]  }
0x2d: {  	s3 =	simm.s32 $0x108;
	s8 =	sld [smem:$0x3FB6]  }
0x2e: {  	s3 =	simm.s32 @!p0 $0x1082;
	s9 =	sld [smem:$0x3FB7]  }
0x2f: {  	lr =	sadd.s32 s0, s3;
	s0 =	sld [smem:$0x3FAE]  }
0x30: {  	s3 =	sld [smem:$0x3FB1]  }
0x31: {  	[smem:$0x3FBA] =	sst s10  }
0x32: {  	s10 =	sld [smem:$0x3FB8];
	_ =	sdelay $0x3  }
0x33: {  	p0 =	seq.s32 s10, $0x1;
	s10 =	sld [smem:$0x3FBA];
	_ =	sdelay $0x3  }
0x34: {  	[smem:$0x3FBA] =	sst s10  }
0x35: {  	s10 =	sld [smem:$0x3FB9];
	_ =	sdelay $0x3  }
0x36: {  	p1 =	seq.s32 s10, $0x1;
	s10 =	sld [smem:$0x3FBA];
	_ =	sdelay $0x3  }
0x37: {  	[smem:$0x3FBA] =	sst s10  }
0x38: {  	s10 =	sld [smem:$0x3FBB]  }
0x39: {  	_ = 	snop;
	(pc) =	sbr.ind lr, $3  }
0x3a: {  	_ = 	snop  }
0x3b: {  	_ = 	snop  }
0x3c: {  	p2 =	seq.s32 s10, $0x1;
	s10 =	sld [smem:$0x3FBA]  }
0x3d: {  	_ =	shalt  }
0x3e: {  	_ =	shalt  }
0x3f: {  	_ =	shalt  }
0x40: {  	_ =	shalt  }
0x41: {  	_ =	shalt  }
0x42: {  	_ =	shalt  }
0x43: {  	_ =	shalt  }
0x44: {  	_ =	shalt  }
0x45: {  	_ =	shalt  }
0x46: {  	_ =	shalt  }
0x47: {  	_ =	shalt  }
0x48: {  	_ =	shalt  }
0x49: {  	_ =	shalt  }
0x4a: {  	_ =	shalt  }
0x4b: {  	_ =	shalt  }
0x4c: {  	_ =	shalt  }
0x4d: {  	_ =	shalt  }
0x4e: {  	_ =	shalt  }
0x4f: {  	_ =	shalt  }
0x50: {  	_ =	shalt  }
0x51: {  	_ =	shalt  }
0x52: {  	_ =	shalt  }
0x53: {  	_ =	shalt  }
0x54: {  	_ =	shalt  }
0x55: {  	_ =	shalt  }
0x56: {  	_ =	shalt  }
0x57: {  	_ =	shalt  }
0x58: {  	_ =	shalt  }
0x59: {  	_ =	shalt  }
0x5a: {  	_ =	shalt  }
0x5b: {  	_ =	shalt  }
0x5c: {  	_ =	shalt  }
0x5d: {  	_ =	shalt  }
0x5e: {  	_ =	shalt  }
0x5f: {  	_ =	shalt  }
0x60: {  	_ =	shalt  }
0x61: {  	_ =	shalt  }
0x62: {  	_ =	shalt  }
0x63: {  	_ =	shalt  }
0x64: {  	_ =	shalt  }
0x65: {  	_ =	shalt  }
0x66: {  	_ =	shalt  }
0x67: {  	_ =	shalt  }
0x68: {  	_ =	shalt  }
0x69: {  	_ =	shalt  }
0x6a: {  	_ =	shalt  }
0x6b: {  	_ =	shalt  }
0x6c: {  	_ =	shalt  }
0x6d: {  	_ =	shalt  }
0x6e: {  	_ =	shalt  }
0x6f: {  	_ =	shalt  }
0x70: {  	_ =	shalt  }
0x71: {  	_ =	shalt  }
0x72: {  	_ =	shalt  }
0x73: {  	_ =	shalt  }
0x74: {  	_ =	shalt  }
0x75: {  	_ =	shalt  }
0x76: {  	_ =	shalt  }
0x77: {  	_ =	shalt  }
0x78: {  	_ =	shalt  }
0x79: {  	_ =	shalt  }
0x7a: {  	_ =	shalt  }
0x7b: {  	_ =	shalt  }
0x7c: {  	_ =	shalt  }
0x7d: {  	_ =	shalt  }
0x7e: {  	_ =	shalt  }
0x7f: {  	_ =	shalt  }
0x80: {  	_ =	shalt  }
0x81: {  	_ =	shalt  }
0x82: {  	_ =	shalt  }
0x83: {  	_ =	shalt  }
0x84: {  	_ =	shalt  }
0x85: {  	_ =	shalt  }
0x86: {  	_ =	shalt  }
0x87: {  	_ =	shalt  }
.Lfunc_end0:
.L_simem_size_0:
called_computation_lowered:
.L_overlay_start_0:
0x88: {  	s2 =	sld [smem:$0x3FD9]  }
0x89: {  	s3 =	sld [smem:$0x3FFE];
	_ =	sdelay $0x1  }
0x8a: {  	s1 =	srdreg.scid  }
0x8b: {  	s0 =	sand.u32 $0x1, s1  }
0x8c: {  	s17 =	sshll.u32 s0, $0xA;
	s2 =	sadd.s32 s3, s2  }
0x8d: {  	s2 =	sadd.s32 s2, s17  }
0x8e: {  	[smem:$0x3FC6] =	sst s2  }
0x8f: {  	_ = 	snop  }
0x90: {  	s2 =	sld [smem:$0x3FC9]  }
0x91: {  	s18 =	sld [smem:$0x3FC8];
	(tm) =	ssettm $0x1  }
0x92: {  	s4 =	sld [smem:$0x3FFB];
	_ =	sdelay $0x3  }
0x93: {  	_ =	strace s4  }
0x94: {  	s4 =	sld [smem:$0x3FFC];
	_ =	sdelay $0x3  }
0x95: {  	_ =	strace s4  }
0x96: {  	s4 =	sld [smem:$0x3FFD];
	_ =	sdelay $0x3  }
0x97: {  	_ =	strace s4  }
0x98: {  	_ =	strace $0x8FFFFFFF  }
0x99: {  	s19 =	sld [smem:$0x3FDB];
	_ =	sdelay $0x1  }
0x9a: {  	s5 =	simm.s32 $_scs_section_size  }
0x9b: {  	s6 =	simm.s32 $_size__tile_overlayer_lowered;
	s7 =	simm.s32 $_tile_overlayer_lowered  }
0x9c: {  	s22 =	simm.s32 $0x1BFF;
	s21 =	sshll.u32 s7, $0x1;
	s4 =	sadd.s32 s5, s19  }
0x9d: {  	s8 =	simm.s32 $0x0;
	s20 =	sshll.u32 s6, $0x1;
	s6 =	sadd.s32 s21, s4  }
0x9e: {  	[timem:s8], [sflag:s22] =	dma.local [hbm:s6], s20  }
0x9f: {  	_ =	swait.ge [sflag:s22], s20  }
0xa0: {  	s5 =	ssub.s32 $0x0, s20;
	[sflag:s22] =	ssyncset.done $0x0  }
0xa1: {  	[sflag:s22] =	ssyncadd.s32 s5;
	_ =	sdelay $0x1  }
0xa2: {  	s23 =	simm.s32 $0x1B8B  }
0xa3: {  	_ =	swait.ge [sflag:s23], $0x1  }
0xa4: {  	[sflag:s23] =	ssyncset.done $0x0  }
0xa5: {  	s25 =	simm.s32 $0x1B8E;
	s24 =	sld [smem:$0x3FFE];
	[sflag:s23] =	ssyncadd.s32 $0xFFFFFFFF  }
0xa6: {  	s26 =	simm.s32 $execute0_lowered;
	[smem:$0x3FD2] =	sst s25  }
0xa7: {  	s6 =	sshll.u32 s26, $0x1;
	_ =	strace $0x80000046;
	[dreg:$0x1] =	wrdreg $0xFFFFFFFF  }
0xa8: {  	s28 =	simm.s32 $_size_execute0_lowered;
	s4 =	sadd.s32 s4, s6;
	[dreg:$0x0] =	wrdreg $0x0  }
0xa9: {  	s6 =	sshll.u32 s28, $0x1;
	[dreg:$0x2] =	wrdreg s4  }
0xaa: {  	[dreg:$0x3] =	wrdreg s6  }
0xab: {  	[dreg:$0x4] =	wrdreg $0xC0  }
0xac: {  	_ =	task [dreg:s8], $0x5FFFF  }
0xad: {  	[dreg:$0x1] =	wrdreg $0xFFFFFFFF  }
0xae: {  	[dreg:$0x0] =	wrdreg $0x60  }
0xaf: {  	[dreg:$0x2] =	wrdreg s2  }
0xb0: {  	[dreg:$0x3] =	wrdreg s18  }
0xb1: {  	[dreg:$0x4] =	wrdreg s24  }
0xb2: {  	[dreg:$0x5] =	wrdreg $0x9  }
0xb3: {  	_ =	task.clear_ibuf [dreg:s8], $0x6FFFF;
	_ =	strace $0x90000046  }
0xb4: {  	s29 =	simm.s32 $0x9;
	_ =	strace $0x80000048  }
0xb5: {  	_ =	swait.ge [sflag:s29], $0x1  }
0xb6: {  	[sflag:s29] =	ssyncadd.s32 $0xFFFFFFFF  }
0xb7: {  	_ =	strace $0x90000048  }
0xb8: {  	_ =	sfence  }
0xb9: {  	s30 =	sld [smem:$0x0];
	_ =	sdelay $0x2  }
0xba: {  	s31 =	sshll.u32 s1, $0xD;
	s1 =	sshrl.u32 s1, $0x2  }
0xbb: {  	s3 =	sand.u32 $0x4000, s31;
	s1 =	sadd.s32 s1, s30  }
0xbc: {  	s0 =	sor.u32 s3, s0;
	s1 =	sshll.u32 s1, $0x11  }
0xbd: {  	s0 =	sor.u32 s1, s0  }
0xbe: {  	s0 =	sadd.s32 $0x8F2B, s0  }
0xbf: {  	[sflag:s0] =	ssyncadd.remote.s32 $0x1  }
0xc0: {  	_ =	sfence.sel $0xFFFF  }
0xc1: {  	[dreg:$0x0] =	wrdreg $0xFFFFFFFF;
	(pc) =	sbr.abs _section_cstart, $3  }
0xc2: {  	[dreg:$0x1] =	wrdreg $0xFFFFFFFF  }
0xc3: {  	_ =	task.clear_ibuf [dreg:s8], $0x2FFFF;
	_ =	strace $0x9FFFFFFF  }
0xc4: {  	(tm) =	ssettm $0x7FFFFFFF  }
0xc5: {  	_ =	shalt  }
tec
execute0_lowered:
.L_overlay_start_1:
0x0: {  	(tag) =	ssettag $0x1  }
0x1: {  	s1 =	rddreg [dreg:$0x0]  }
0x2: {  	s3 =	rddreg [dreg:$0x1]  }
0x3: {  	s2 =	srdreg.scid;
	s0 =	stileid.u32  }
0x4: {  	s5 =	rddreg [dreg:$0x2];
	s4 =	simm.s32 $0x0;
	s14 =	simm.s32 $0x10000  }
0x5: {  	s15 =	simm.s32 $0x16000;
	s16 =	simm.s32 $0x12000;
	s17 =	simm.s32 $0x18000  }
0x6: {  	s18 =	simm.s32 $0x14000;
	s19 =	simm.s32 $0x1A000;
	s20 =	simm.s32 $0x1  }
0x7: {  	s21 =	simm.s32 $0x2;
	s22 =	simm.s32 $0x3;
	s23 =	simm.s32 $0x4  }
0x8: {  	s6 =	sand.u32 $0x1, s2;
	s7 =	sshll.u32 s0, $0x1;
	s2 =	rddreg [dreg:$0x3]  }
0x9: {  	s24 =	simm.s32 $0x0;
	[smem:$0x7FF] =	sst s4;
	s7 =	sor.u32 s6, s7  }
0xa: {  	s6 =	ssub.s32 $0x2, s6;
	_ =	strace $0x80000047;
	s8 =	sshll.u32 s7, $0xD  }
0xb: {  	s30 =	sshrl.u32 s6, $0x1;
	s11 =	sshll.u32 s7, $0x12;
	s7 =	sshll.u32 s7, $0xF  }
0xc: {  	s12 =	sadd.s32 s8, s5;
	s13 =	ssub.s32 s6, s30;
	s5 =	sadd.s32 s1, s7  }
0xd: {  	s6 =	sadd.s32 s3, s7;
	s31 =	sor.u32 $0x400, s7;
	s9 =	sor.u32 $0x4000, s11  }
0xe: {  	s10 =	sor.u32 $0x6000, s11;
	s11 =	sor.u32 $0x8000, s11;
	s7 =	sadd.s32 s1, s31  }
0xf: {  	v0 =	vimm.f32 $0.0e+00;
	v1 =	vlaneseq.u32;
	s8 =	sadd.s32 s3, s31;
	s12 =	sadd.s32 $0x600, s12;
	s13 =	smax.u32 s13, $0x1  }
.LBB2_1:
0x10: {  	[tilespmem:s14], [sflag:$0x1] =	stream.linear.gather [hbm4b:s5+s4], $0x2000, $0x38;
	[tilespmem:$0x1C000] =	vst v63  }
0x11: {  	_ = 	snop  }
0x12: {  	[tilespmem:s15], [sflag:$0x1] =	stream.linear.gather [hbm4b:s6+s4], $0x2000, $0x38;
	[tilespmem:$0x1C000] =	vst v63  }
0x13: {  	_ = 	snop  }
0x14: {  	[tilespmem:s16], [sflag:$0x2] =	stream.linear.gather [hbm4b:s7+s4], $0x2000, $0x38;
	[tilespmem:$0x1C000] =	vst v63  }
0x15: {  	s25 =	simm.s32 $0x0;
	s26 =	simm.s32 $0x200  }
0x16: {  	[tilespmem:s17], [sflag:$0x2] =	stream.linear.gather [hbm4b:s8+s4], $0x2000, $0x38;
	[tilespmem:$0x1C000] =	vst v63  }
.LBB2_2:
0x17: {  	p0 =	sne.s32 s26, $0x3FE00;
	[tilespmem:s25+$0x70] =	vst v0  }
0x18: {  	[tilespmem:s25+$0x0] =	vst v0  }
0x19: {  	[tilespmem:s25+$0x10] =	vst v0  }
.Ltmp0:
0x1a: {  	[tilespmem:s25+$0x20] =	vst v0;
	(pc) =	sbr.rel @p0 .LBB2_2-.Ltmp0, $4  }
0x1b: {  	[tilespmem:s25+$0x30] =	vst v0  }
0x1c: {  	[tilespmem:s25+$0x40] =	vst v0  }
0x1d: {  	[tilespmem:s25+$0x50] =	vst v0  }
0x1e: {  	[tilespmem:s25+$0x60] =	vst v0;
	s25 =	sshra.s32 s26, $0x2;
	s26 =	sadd.s32 $0x200, s26  }
0x1f: {  	[tilespmem:s25+$0x70] =	vst v0  }
0x20: {  	[tilespmem:s25+$0x0] =	vst v0  }
0x21: {  	[tilespmem:s25+$0x10] =	vst v0  }
0x22: {  	[tilespmem:s25+$0x20] =	vst v0  }
0x23: {  	[tilespmem:s25+$0x30] =	vst v0  }
0x24: {  	[tilespmem:s25+$0x40] =	vst v0  }
0x25: {  	[tilespmem:s25+$0x50] =	vst v0  }
0x26: {  	[tilespmem:s25+$0x60] =	vst v0;
	s25 =	simm.s32 $0x0  }
.LBB2_4:
0x27: {  	s26 =	smul.u32 $0x6000, s25;
	_ =	sdelay $0x1  }
0x28: {  	s28 =	sadd.s32 s26, s9  }
0x29: {  	s28 =	sshrl.u32 s28, $0x3  }
0x2a: {  	s29 =	sadd.s32 s1, s28  }
0x2b: {  	[tilespmem:s18], [sflag:$0x3] =	stream.linear.gather [hbm4b:s29+s4], $0x2000, $0x38;
	[tilespmem:$0x1C000] =	vst v63  }
0x2c: {  	s28 =	sadd.s32 s3, s28  }
0x2d: {  	[tilespmem:s19], [sflag:$0x3] =	stream.linear.gather [hbm4b:s28+s4], $0x2000, $0x38;
	[tilespmem:$0x1C000] =	vst v63  }
0x2e: {  	_ =	swait.ge [sflag:s20], $0x2000  }
0x2f: {  	[sflag:s20] =	ssyncset.done $0x0  }
0x30: {  	[sflag:s20] =	ssyncadd.s32 $0xFFFFE000  }
0x31: {  	_ =	swait.ge [sflag:s20], $0x2000  }
0x32: {  	[sflag:s20] =	ssyncset.done $0x0  }
0x33: {  	s29 =	simm.s32 $0x10040;
	[sflag:s20] =	ssyncadd.s32 $0xFFFFE000  }
0x34: {  	v20 =	vld [tilespmem:s29+$0x10]  }
0x35: {  	v3 =	vld [tilespmem:s29+$0x20]  }
0x36: {  	v2 =	vld [tilespmem:s29+$0xFFFFFFE0]  }
0x37: {  	s28 =	simm.s32 $0x16040;
	v4 =	vld [tilespmem:s29+$0xFFFFFFD0]  }
0x38: {  	v6 =	vld [tilespmem:s28+$0x30]  }
0x39: {  	v8 =	vld [tilespmem:s29+$0xFFFFFFF0]  }
0x3a: {  	v5 =	vld [tilespmem:s29+$0x30]  }
0x3b: {  	v10 =	vld [tilespmem:s28+$0x10]  }
0x3c: {  	v9 =	vld [tilespmem:s28+$0xFFFFFFF0];
	v7 =	vmul.f32 $6.553600000e+04, v2  }
0x3d: {  	v11 =	vmul.f32 $6.553600000e+04, v4;
	v12 =	vmul.f32 $6.553600000e+04, v3  }
0x3e: {  	v15 =	vmul.f32 $6.553600000e+04, v20;
	v16 =	vmul.f32 $6.553600000e+04, v8  }
0x3f: {  	v19 =	vmul.f32 $6.553600000e+04, v5;
	v13 =	vadd.f32 $8.388608000e+06, v7;
	v7 =	vld [tilespmem:s29+$0xFFFFFFC0];
	v17 =	vadd.f32 $8.388608000e+06, v11  }
0x40: {  	v14 =	vld [tilespmem:s28+$0xFFFFFFD0];
	v24 =	vcvt.s32.f32 v10;
	v12 =	vadd.f32 $8.388608000e+06, v12;
	v18 =	vadd.f32 $8.388608000e+06, v15  }
0x41: {  	v11 =	vcvt.s32.f32 v6;
	v21 =	vadd.f32 $8.388608000e+06, v16;
	v16 =	vcvt.s32.f32 v9;
	v15 =	vld [tilespmem:s28+$0xFFFFFFC0]  }
0x42: {  	v19 =	vadd.f32 $8.388608000e+06, v19;
	v20 =	vsub.f32 v20, v24;
	v6 =	vand.u32 $0xFFF0, v17;
	v17 =	vld [tilespmem:s28+$0x20]  }
0x43: {  	v10 =	vand.u32 $0xFFF0, v12;
	v21 =	vand.u32 $0xFFF0, v21;
	v9 =	vor.u32 v1, v6;
	v6 =	vld [tilespmem:s29+$0x0]  }
0x44: {  	v25 =	vand.u32 $0xFFF0, v18;
	v22 =	vand.u32 $0xFFF0, v13;
	v13 =	vld [tilespmem:s28+$0xFFFFFFE0];
	v23 =	vmul.f32 $6.553600000e+04, v7  }
0x45: {  	s30 =	simm.s32 $0x100C0;
	v12 =	vor.u32 v1, v10;
	v10 =	vld [tilespmem:s28+$0x0];
	s29 =	simm.s32 $0x0;
	v18 =	vor.u32 v1, v21;
	v21 =	vor.u32 v1, v25  }
.LBB2_5:
0x46: {  	v24 =	vld [tilespmem:s30+$0x10];
	s29 =	sadd.s32 $0x8, s29;
	v23 =	vadd.f32 $8.388608000e+06, v23;
	v14 =	vcvt.s32.f32 v14;
	v22 =	vor.u32 v1, v22;
	s28 =	sadd.s32 $0x80, s28  }
0x47: {  	v8 =	vsub.f32 v8, v16;
	v16 =	vcvt.s32.f32 v17;
	v11 =	vsub.f32 v5, v11;
	v25 =	vld [tilespmem:s28+$0x10];
	p0 =	slt.u32 s29, $0x1F8  }
0x48: {  	v17 =	vld [tilespmem:s28+$0x30];
	v5 =	vand.u32 $0xFFF0, v23;
	v14 =	vsub.f32 v4, v14;
	v4 =	vmul.f32 $6.553600000e+04, v6  }
0x49: {  	v19 =	vand.u32 $0xFFF0, v19;
	v16 =	vsub.f32 v3, v16;
	v5 =	vor.u32 v1, v5;
	v3 =	vld [tilespmem:s30+$0x20]  }
0x4a: {  	v19 =	vor.u32 v1, v19;
	v4 =	vadd.f32 $8.388608000e+06, v4;
	[tilespmem:v21+s4+$0x0] =	vst.idx.add.f32.msk $0xffff, v20  }
0x4b: {  	v15 =	vcvt.s32.f32 v15;
	[tilespmem:v18+s4+$0x0] =	vst.idx.add.f32.msk $0xffff, v8  }
0x4c: {  	v18 =	vld [tilespmem:s28+$0xFFFFFFF0];
	v4 =	vand.u32 $0xFFF0, v4  }
0x4d: {  	v7 =	vsub.f32 v7, v15;
	v15 =	vor.u32 v1, v4;
	[tilespmem:v12+s4+$0x0] =	vst.idx.add.f32.msk $0xffff, v16  }
0x4e: {  	v4 =	vld [tilespmem:s30+$0xFFFFFFD0]  }
0x4f: {  	v12 =	vld [tilespmem:s30+$0xFFFFFFE0]  }
0x50: {  	v8 =	vld [tilespmem:s30+$0xFFFFFFF0]  }
0x51: {  	v10 =	vcvt.s32.f32 v10;
	[tilespmem:v5+s4+$0x0] =	vst.idx.add.f32.msk $0xffff, v7;
	v7 =	vcvt.s32.f32 v13  }
0x52: {  	[tilespmem:v9+s4+$0x0] =	vst.idx.add.f32.msk $0xffff, v14  }
0x53: {  	v6 =	vsub.f32 v6, v10;
	v5 =	vld [tilespmem:s30+$0x30];
	v7 =	vsub.f32 v2, v7  }
0x54: {  	v9 =	vmul.f32 $6.553600000e+04, v12;
	[tilespmem:v19+s4+$0x0] =	vst.idx.add.f32.msk $0xffff, v11;
	v2 =	vmov v12  }
0x55: {  	v10 =	vmul.f32 $6.553600000e+04, v4;
	v11 =	vmul.f32 $6.553600000e+04, v3;
	[tilespmem:v22+s4+$0x0] =	vst.idx.add.f32.msk $0xffff, v7  }
0x56: {  	v12 =	vmul.f32 $6.553600000e+04, v24;
	v13 =	vadd.f32 $8.388608000e+06, v9;
	v9 =	vmul.f32 $6.553600000e+04, v8;
	[tilespmem:v15+s4+$0x0] =	vst.idx.add.f32.msk $0xffff, v6  }
0x57: {  	v6 =	vadd.f32 $8.388608000e+06, v10;
	v10 =	vadd.f32 $8.388608000e+06, v11;
	v7 =	vld [tilespmem:s30+$0xFFFFFFC0]  }
0x58: {  	v12 =	vadd.f32 $8.388608000e+06, v12;
	v11 =	vcvt.s32.f32 v17;
	v14 =	vld [tilespmem:s28+$0xFFFFFFD0];
	v19 =	vmul.f32 $6.553600000e+04, v5  }
.Ltmp1:
0x59: {  	v16 =	vcvt.s32.f32 v18;
	v6 =	vand.u32 $0xFFF0, v6;
	v20 =	vadd.f32 $8.388608000e+06, v9;
	v17 =	vld [tilespmem:s28+$0x20];
	(pc) =	sbr.rel @p0 .LBB2_5-.Ltmp1, $4  }
0x5a: {  	v21 =	vcvt.s32.f32 v25;
	v10 =	vand.u32 $0xFFF0, v10;
	v9 =	vor.u32 v1, v6;
	v6 =	vld [tilespmem:s30+$0x0]  }
0x5b: {  	v25 =	vand.u32 $0xFFF0, v12;
	v12 =	vor.u32 v1, v10;
	v18 =	vand.u32 $0xFFF0, v20;
	v15 =	vld [tilespmem:s28+$0xFFFFFFC0]  }
0x5c: {  	v22 =	vand.u32 $0xFFF0, v13;
	v19 =	vadd.f32 $8.388608000e+06, v19;
	v23 =	vmul.f32 $6.553600000e+04, v7;
	v10 =	vld [tilespmem:s28+$0x0]  }
0x5d: {  	v20 =	vsub.f32 v24, v21;
	v21 =	vor.u32 v1, v25;
	s30 =	sadd.s32 $0x80, s30;
	v18 =	vor.u32 v1, v18;
	v13 =	vld [tilespmem:s28+$0xFFFFFFE0]  }
0x5e: {  	v23 =	vadd.f32 $8.388608000e+06, v23;
	_ =	sdelay $0x1  }
0x5f: {  	v24 =	vmul.f32 $6.553600000e+04, v6;
	v23 =	vand.u32 $0xFFF0, v23  }
0x60: {  	v8 =	vsub.f32 v8, v16;
	v16 =	vcvt.s32.f32 v17;
	v17 =	vor.u32 v1, v23  }
0x61: {  	v19 =	vand.u32 $0xFFF0, v19;
	v15 =	vcvt.s32.f32 v15;
	v23 =	vadd.f32 $8.388608000e+06, v24  }
0x62: {  	v14 =	vcvt.s32.f32 v14;
	[tilespmem:v21+s4+$0x0] =	vst.idx.add.f32.msk $0xffff, v20;
	v3 =	vsub.f32 v3, v16;
	v16 =	vor.u32 v1, v19  }
0x63: {  	v19 =	vor.u32 v1, v22;
	[tilespmem:v18+s4+$0x0] =	vst.idx.add.f32.msk $0xffff, v8;
	v7 =	vsub.f32 v7, v15;
	v8 =	vand.u32 $0xFFF0, v23  }
0x64: {  	v4 =	vsub.f32 v4, v14;
	[tilespmem:v12+s4+$0x0] =	vst.idx.add.f32.msk $0xffff, v3;
	v3 =	vcvt.s32.f32 v13;
	v8 =	vor.u32 v1, v8  }
0x65: {  	v5 =	vsub.f32 v5, v11;
	[tilespmem:v17+s4+$0x0] =	vst.idx.add.f32.msk $0xffff, v7;
	v7 =	vcvt.s32.f32 v10  }
0x66: {  	[tilespmem:v9+s4+$0x0] =	vst.idx.add.f32.msk $0xffff, v4;
	v2 =	vsub.f32 v2, v3  }
0x67: {  	s28 =	sadd.s32 s26, s10;
	[tilespmem:v16+s4+$0x0] =	vst.idx.add.f32.msk $0xffff, v5;
	v3 =	vsub.f32 v6, v7  }
0x68: {  	s28 =	sshrl.u32 s28, $0x3;
	[tilespmem:v19+s4+$0x0] =	vst.idx.add.f32.msk $0xffff, v2  }
0x69: {  	s29 =	sadd.s32 s1, s28;
	[tilespmem:v8+s4+$0x0] =	vst.idx.add.f32.msk $0xffff, v3  }
0x6a: {  	[tilespmem:s14], [sflag:$0x1] =	stream.linear.gather [hbm4b:s29+s4], $0x2000, $0x38;
	[tilespmem:$0x1C000] =	vst v63  }
0x6b: {  	s28 =	sadd.s32 s3, s28  }
0x6c: {  	[tilespmem:s15], [sflag:$0x1] =	stream.linear.gather [hbm4b:s28+s4], $0x2000, $0x38;
	[tilespmem:$0x1C000] =	vst v63  }
0x6d: {  	_ =	swait.ge [sflag:s21], $0x2000  }
0x6e: {  	[sflag:s21] =	ssyncset.done $0x0  }
0x6f: {  	[sflag:s21] =	ssyncadd.s32 $0xFFFFE000  }
0x70: {  	_ =	swait.ge [sflag:s21], $0x2000  }
0x71: {  	[sflag:s21] =	ssyncset.done $0x0  }
0x72: {  	s29 =	simm.s32 $0x12040;
	[sflag:s21] =	ssyncadd.s32 $0xFFFFE000  }
0x73: {  	v20 =	vld [tilespmem:s29+$0x10]  }
0x74: {  	v3 =	vld [tilespmem:s29+$0x20]  }
0x75: {  	v2 =	vld [tilespmem:s29+$0xFFFFFFE0]  }
0x76: {  	s28 =	simm.s32 $0x18040;
	v4 =	vld [tilespmem:s29+$0xFFFFFFD0]  }
0x77: {  	v6 =	vld [tilespmem:s28+$0x30]  }
0x78: {  	v8 =	vld [tilespmem:s29+$0xFFFFFFF0]  }
0x79: {  	v5 =	vld [tilespmem:s29+$0x30]  }
0x7a: {  	v10 =	vld [tilespmem:s28+$0x10]  }
0x7b: {  	v9 =	vld [tilespmem:s28+$0xFFFFFFF0];
	v7 =	vmul.f32 $6.553600000e+04, v2  }
0x7c: {  	v11 =	vmul.f32 $6.553600000e+04, v4;
	v12 =	vmul.f32 $6.553600000e+04, v3  }
0x7d: {  	v15 =	vmul.f32 $6.553600000e+04, v20;
	v16 =	vmul.f32 $6.553600000e+04, v8  }
0x7e: {  	v19 =	vmul.f32 $6.553600000e+04, v5;
	v13 =	vadd.f32 $8.388608000e+06, v7;
	v7 =	vld [tilespmem:s29+$0xFFFFFFC0];
	v17 =	vadd.f32 $8.388608000e+06, v11  }
0x7f: {  	v14 =	vld [tilespmem:s28+$0xFFFFFFD0];
	v63 =	vcvt.s32.f32 v10;
	v12 =	vadd.f32 $8.388608000e+06, v12;
	v18 =	vadd.f32 $8.388608000e+06, v15  }
0x80: {  	v11 =	vcvt.s32.f32 v6;
	v21 =	vadd.f32 $8.388608000e+06, v16;
	v16 =	vcvt.s32.f32 v9;
	v15 =	vld [tilespmem:s28+$0xFFFFFFC0]  }
0x81: {  	v19 =	vadd.f32 $8.388608000e+06, v19;
	v20 =	vsub.f32 v20, v63;
	v6 =	vand.u32 $0xFFF0, v17;
	v17 =	vld [tilespmem:s28+$0x20]  }
0x82: {  	v10 =	vand.u32 $0xFFF0, v12;
	v21 =	vand.u32 $0xFFF0, v21;
	v9 =	vor.u32 v1, v6;
	v6 =	vld [tilespmem:s29+$0x0]  }
0x83: {  	v25 =	vand.u32 $0xFFF0, v18;
	v22 =	vand.u32 $0xFFF0, v13;
	v13 =	vld [tilespmem:s28+$0xFFFFFFE0];
	v23 =	vmul.f32 $6.553600000e+04, v7  }
0x84: {  	s30 =	simm.s32 $0x120C0;
	v12 =	vor.u32 v1, v10;
	v10 =	vld [tilespmem:s28+$0x0];
	s29 =	simm.s32 $0x0;
	v18 =	vor.u32 v1, v21;
	v21 =	vor.u32 v1, v25  }
.LBB2_7:
0x85: {  	v24 =	vld [tilespmem:s30+$0x10];
	s29 =	sadd.s32 $0x8, s29;
	v23 =	vadd.f32 $8.388608000e+06, v23;
	v14 =	vcvt.s32.f32 v14;
	v22 =	vor.u32 v1, v22;
	s28 =	sadd.s32 $0x80, s28  }
0x86: {  	v8 =	vsub.f32 v8, v16;
	v16 =	vcvt.s32.f32 v17;
	v11 =	vsub.f32 v5, v11;
	v25 =	vld [tilespmem:s28+$0x10];
	p0 =	slt.u32 s29, $0x1F8  }
0x87: {  	v17 =	vld [tilespmem:s28+$0x30];
	v5 =	vand.u32 $0xFFF0, v23;
	v14 =	vsub.f32 v4, v14;
	v4 =	vmul.f32 $6.553600000e+04, v6  }
0x88: {  	v19 =	vand.u32 $0xFFF0, v19;
	v16 =	vsub.f32 v3, v16;
	v5 =	vor.u32 v1, v5;
	v3 =	vld [tilespmem:s30+$0x20]  }
0x89: {  	v19 =	vor.u32 v1, v19;
	v4 =	vadd.f32 $8.388608000e+06, v4;
	[tilespmem:v21+s4+$0x0] =	vst.idx.add.f32.msk $0xffff, v20  }
0x8a: {  	v15 =	vcvt.s32.f32 v15;
	[tilespmem:v18+s4+$0x0] =	vst.idx.add.f32.msk $0xffff, v8  }
0x8b: {  	v18 =	vld [tilespmem:s28+$0xFFFFFFF0];
	v4 =	vand.u32 $0xFFF0, v4  }
0x8c: {  	v7 =	vsub.f32 v7, v15;
	v15 =	vor.u32 v1, v4;
	[tilespmem:v12+s4+$0x0] =	vst.idx.add.f32.msk $0xffff, v16  }
0x8d: {  	v4 =	vld [tilespmem:s30+$0xFFFFFFD0]  }
0x8e: {  	v12 =	vld [tilespmem:s30+$0xFFFFFFE0]  }
0x8f: {  	v8 =	vld [tilespmem:s30+$0xFFFFFFF0]  }
0x90: {  	v10 =	vcvt.s32.f32 v10;
	[tilespmem:v5+s4+$0x0] =	vst.idx.add.f32.msk $0xffff, v7;
	v7 =	vcvt.s32.f32 v13  }
0x91: {  	[tilespmem:v9+s4+$0x0] =	vst.idx.add.f32.msk $0xffff, v14  }
0x92: {  	v6 =	vsub.f32 v6, v10;
	v5 =	vld [tilespmem:s30+$0x30];
	v7 =	vsub.f32 v2, v7  }
0x93: {  	v9 =	vmul.f32 $6.553600000e+04, v12;
	[tilespmem:v19+s4+$0x0] =	vst.idx.add.f32.msk $0xffff, v11;
	v2 =	vmov v12  }
0x94: {  	v10 =	vmul.f32 $6.553600000e+04, v4;
	v11 =	vmul.f32 $6.553600000e+04, v3;
	[tilespmem:v22+s4+$0x0] =	vst.idx.add.f32.msk $0xffff, v7  }
0x95: {  	v12 =	vmul.f32 $6.553600000e+04, v24;
	v13 =	vadd.f32 $8.388608000e+06, v9;
	v9 =	vmul.f32 $6.553600000e+04, v8;
	[tilespmem:v15+s4+$0x0] =	vst.idx.add.f32.msk $0xffff, v6  }
0x96: {  	v6 =	vadd.f32 $8.388608000e+06, v10;
	v10 =	vadd.f32 $8.388608000e+06, v11;
	v7 =	vld [tilespmem:s30+$0xFFFFFFC0]  }
0x97: {  	v12 =	vadd.f32 $8.388608000e+06, v12;
	v11 =	vcvt.s32.f32 v17;
	v14 =	vld [tilespmem:s28+$0xFFFFFFD0];
	v19 =	vmul.f32 $6.553600000e+04, v5  }
.Ltmp2:
0x98: {  	v16 =	vcvt.s32.f32 v18;
	v6 =	vand.u32 $0xFFF0, v6;
	v20 =	vadd.f32 $8.388608000e+06, v9;
	v17 =	vld [tilespmem:s28+$0x20];
	(pc) =	sbr.rel @p0 .LBB2_7-.Ltmp2, $4  }
0x99: {  	v21 =	vcvt.s32.f32 v25;
	v10 =	vand.u32 $0xFFF0, v10;
	v9 =	vor.u32 v1, v6;
	v6 =	vld [tilespmem:s30+$0x0]  }
0x9a: {  	v25 =	vand.u32 $0xFFF0, v12;
	v12 =	vor.u32 v1, v10;
	v18 =	vand.u32 $0xFFF0, v20;
	v15 =	vld [tilespmem:s28+$0xFFFFFFC0]  }
0x9b: {  	v22 =	vand.u32 $0xFFF0, v13;
	v19 =	vadd.f32 $8.388608000e+06, v19;
	v23 =	vmul.f32 $6.553600000e+04, v7;
	v10 =	vld [tilespmem:s28+$0x0]  }
0x9c: {  	v20 =	vsub.f32 v24, v21;
	v21 =	vor.u32 v1, v25;
	s30 =	sadd.s32 $0x80, s30;
	v18 =	vor.u32 v1, v18;
	v13 =	vld [tilespmem:s28+$0xFFFFFFE0]  }
0x9d: {  	v23 =	vadd.f32 $8.388608000e+06, v23;
	_ =	sdelay $0x1  }
0x9e: {  	v24 =	vmul.f32 $6.553600000e+04, v6;
	v23 =	vand.u32 $0xFFF0, v23  }
0x9f: {  	v8 =	vsub.f32 v8, v16;
	v16 =	vcvt.s32.f32 v17;
	v17 =	vor.u32 v1, v23  }
0xa0: {  	v19 =	vand.u32 $0xFFF0, v19;
	v15 =	vcvt.s32.f32 v15;
	v23 =	vadd.f32 $8.388608000e+06, v24  }
0xa1: {  	v14 =	vcvt.s32.f32 v14;
	[tilespmem:v21+s4+$0x0] =	vst.idx.add.f32.msk $0xffff, v20;
	v3 =	vsub.f32 v3, v16;
	v16 =	vor.u32 v1, v19  }
0xa2: {  	v19 =	vor.u32 v1, v22;
	[tilespmem:v18+s4+$0x0] =	vst.idx.add.f32.msk $0xffff, v8;
	v7 =	vsub.f32 v7, v15;
	v8 =	vand.u32 $0xFFF0, v23  }
0xa3: {  	v4 =	vsub.f32 v4, v14;
	[tilespmem:v12+s4+$0x0] =	vst.idx.add.f32.msk $0xffff, v3;
	v3 =	vcvt.s32.f32 v13;
	v8 =	vor.u32 v1, v8  }
0xa4: {  	v5 =	vsub.f32 v5, v11;
	[tilespmem:v17+s4+$0x0] =	vst.idx.add.f32.msk $0xffff, v7;
	v7 =	vcvt.s32.f32 v10  }
0xa5: {  	[tilespmem:v9+s4+$0x0] =	vst.idx.add.f32.msk $0xffff, v4;
	v2 =	vsub.f32 v2, v3  }
0xa6: {  	s26 =	sadd.s32 s26, s11;
	[tilespmem:v16+s4+$0x0] =	vst.idx.add.f32.msk $0xffff, v5;
	v3 =	vsub.f32 v6, v7  }
0xa7: {  	s26 =	sshrl.u32 s26, $0x3;
	[tilespmem:v19+s4+$0x0] =	vst.idx.add.f32.msk $0xffff, v2  }
0xa8: {  	s28 =	sadd.s32 s1, s26;
	[tilespmem:v8+s4+$0x0] =	vst.idx.add.f32.msk $0xffff, v3  }
0xa9: {  	[tilespmem:s16], [sflag:$0x2] =	stream.linear.gather [hbm4b:s28+s4], $0x2000, $0x38;
	[tilespmem:$0x1C000] =	vst v63  }
0xaa: {  	s26 =	sadd.s32 s3, s26  }
0xab: {  	[tilespmem:s17], [sflag:$0x2] =	stream.linear.gather [hbm4b:s26+s4], $0x2000, $0x38;
	[tilespmem:$0x1C000] =	vst v63  }
0xac: {  	_ =	swait.ge [sflag:s22], $0x2000  }
0xad: {  	[sflag:s22] =	ssyncset.done $0x0  }
0xae: {  	[sflag:s22] =	ssyncadd.s32 $0xFFFFE000  }
0xaf: {  	_ =	swait.ge [sflag:s22], $0x2000  }
0xb0: {  	[sflag:s22] =	ssyncset.done $0x0  }
0xb1: {  	s28 =	simm.s32 $0x14040;
	[sflag:s22] =	ssyncadd.s32 $0xFFFFE000  }
0xb2: {  	v20 =	vld [tilespmem:s28+$0x10]  }
0xb3: {  	v3 =	vld [tilespmem:s28+$0x20]  }
0xb4: {  	v2 =	vld [tilespmem:s28+$0xFFFFFFE0]  }
0xb5: {  	s26 =	simm.s32 $0x1A040;
	v4 =	vld [tilespmem:s28+$0xFFFFFFD0]  }
0xb6: {  	v6 =	vld [tilespmem:s26+$0x30]  }
0xb7: {  	v8 =	vld [tilespmem:s28+$0xFFFFFFF0]  }
0xb8: {  	v5 =	vld [tilespmem:s28+$0x30]  }
0xb9: {  	v10 =	vld [tilespmem:s26+$0x10]  }
0xba: {  	v9 =	vld [tilespmem:s26+$0xFFFFFFF0];
	v7 =	vmul.f32 $6.553600000e+04, v2  }
0xbb: {  	v11 =	vmul.f32 $6.553600000e+04, v4;
	v12 =	vmul.f32 $6.553600000e+04, v3  }
0xbc: {  	v15 =	vmul.f32 $6.553600000e+04, v20;
	v16 =	vmul.f32 $6.553600000e+04, v8  }
0xbd: {  	v19 =	vmul.f32 $6.553600000e+04, v5;
	v13 =	vadd.f32 $8.388608000e+06, v7;
	v7 =	vld [tilespmem:s28+$0xFFFFFFC0];
	v17 =	vadd.f32 $8.388608000e+06, v11  }
0xbe: {  	v14 =	vld [tilespmem:s26+$0xFFFFFFD0];
	v63 =	vcvt.s32.f32 v10;
	v12 =	vadd.f32 $8.388608000e+06, v12;
	v18 =	vadd.f32 $8.388608000e+06, v15  }
0xbf: {  	v11 =	vcvt.s32.f32 v6;
	v21 =	vadd.f32 $8.388608000e+06, v16;
	v16 =	vcvt.s32.f32 v9;
	v15 =	vld [tilespmem:s26+$0xFFFFFFC0]  }
0xc0: {  	v19 =	vadd.f32 $8.388608000e+06, v19;
	v20 =	vsub.f32 v20, v63;
	v6 =	vand.u32 $0xFFF0, v17;
	v17 =	vld [tilespmem:s26+$0x20]  }
0xc1: {  	v10 =	vand.u32 $0xFFF0, v12;
	v21 =	vand.u32 $0xFFF0, v21;
	v9 =	vor.u32 v1, v6;
	v6 =	vld [tilespmem:s28+$0x0]  }
0xc2: {  	v25 =	vand.u32 $0xFFF0, v18;
	v22 =	vand.u32 $0xFFF0, v13;
	v13 =	vld [tilespmem:s26+$0xFFFFFFE0];
	v23 =	vmul.f32 $6.553600000e+04, v7  }
0xc3: {  	s29 =	simm.s32 $0x140C0;
	v12 =	vor.u32 v1, v10;
	v10 =	vld [tilespmem:s26+$0x0];
	s28 =	simm.s32 $0x0;
	v18 =	vor.u32 v1, v21;
	v21 =	vor.u32 v1, v25  }
.LBB2_9:
0xc4: {  	v24 =	vld [tilespmem:s29+$0x10];
	s28 =	sadd.s32 $0x8, s28;
	v23 =	vadd.f32 $8.388608000e+06, v23;
	v14 =	vcvt.s32.f32 v14;
	v22 =	vor.u32 v1, v22;
	s26 =	sadd.s32 $0x80, s26  }
0xc5: {  	v8 =	vsub.f32 v8, v16;
	v16 =	vcvt.s32.f32 v17;
	v11 =	vsub.f32 v5, v11;
	v25 =	vld [tilespmem:s26+$0x10];
	p0 =	slt.u32 s28, $0x1F8  }
0xc6: {  	v17 =	vld [tilespmem:s26+$0x30];
	v5 =	vand.u32 $0xFFF0, v23;
	v14 =	vsub.f32 v4, v14;
	v4 =	vmul.f32 $6.553600000e+04, v6  }
0xc7: {  	v19 =	vand.u32 $0xFFF0, v19;
	v16 =	vsub.f32 v3, v16;
	v5 =	vor.u32 v1, v5;
	v3 =	vld [tilespmem:s29+$0x20]  }
0xc8: {  	v19 =	vor.u32 v1, v19;
	v4 =	vadd.f32 $8.388608000e+06, v4;
	[tilespmem:v21+s4+$0x0] =	vst.idx.add.f32.msk $0xffff, v20  }
0xc9: {  	v15 =	vcvt.s32.f32 v15;
	[tilespmem:v18+s4+$0x0] =	vst.idx.add.f32.msk $0xffff, v8  }
0xca: {  	v18 =	vld [tilespmem:s26+$0xFFFFFFF0];
	v4 =	vand.u32 $0xFFF0, v4  }
0xcb: {  	v7 =	vsub.f32 v7, v15;
	v15 =	vor.u32 v1, v4;
	[tilespmem:v12+s4+$0x0] =	vst.idx.add.f32.msk $0xffff, v16  }
0xcc: {  	v4 =	vld [tilespmem:s29+$0xFFFFFFD0]  }
0xcd: {  	v12 =	vld [tilespmem:s29+$0xFFFFFFE0]  }
0xce: {  	v8 =	vld [tilespmem:s29+$0xFFFFFFF0]  }
0xcf: {  	v10 =	vcvt.s32.f32 v10;
	[tilespmem:v5+s4+$0x0] =	vst.idx.add.f32.msk $0xffff, v7;
	v7 =	vcvt.s32.f32 v13  }
0xd0: {  	[tilespmem:v9+s4+$0x0] =	vst.idx.add.f32.msk $0xffff, v14  }
0xd1: {  	v6 =	vsub.f32 v6, v10;
	v5 =	vld [tilespmem:s29+$0x30];
	v7 =	vsub.f32 v2, v7  }
0xd2: {  	v9 =	vmul.f32 $6.553600000e+04, v12;
	[tilespmem:v19+s4+$0x0] =	vst.idx.add.f32.msk $0xffff, v11;
	v2 =	vmov v12  }
0xd3: {  	v10 =	vmul.f32 $6.553600000e+04, v4;
	v11 =	vmul.f32 $6.553600000e+04, v3;
	[tilespmem:v22+s4+$0x0] =	vst.idx.add.f32.msk $0xffff, v7  }
0xd4: {  	v12 =	vmul.f32 $6.553600000e+04, v24;
	v13 =	vadd.f32 $8.388608000e+06, v9;
	v9 =	vmul.f32 $6.553600000e+04, v8;
	[tilespmem:v15+s4+$0x0] =	vst.idx.add.f32.msk $0xffff, v6  }
0xd5: {  	v6 =	vadd.f32 $8.388608000e+06, v10;
	v10 =	vadd.f32 $8.388608000e+06, v11;
	v7 =	vld [tilespmem:s29+$0xFFFFFFC0]  }
0xd6: {  	v12 =	vadd.f32 $8.388608000e+06, v12;
	v11 =	vcvt.s32.f32 v17;
	v14 =	vld [tilespmem:s26+$0xFFFFFFD0];
	v19 =	vmul.f32 $6.553600000e+04, v5  }
.Ltmp3:
0xd7: {  	v16 =	vcvt.s32.f32 v18;
	v6 =	vand.u32 $0xFFF0, v6;
	v20 =	vadd.f32 $8.388608000e+06, v9;
	v17 =	vld [tilespmem:s26+$0x20];
	(pc) =	sbr.rel @p0 .LBB2_9-.Ltmp3, $4  }
0xd8: {  	v21 =	vcvt.s32.f32 v25;
	v10 =	vand.u32 $0xFFF0, v10;
	v9 =	vor.u32 v1, v6;
	v6 =	vld [tilespmem:s29+$0x0]  }
0xd9: {  	v25 =	vand.u32 $0xFFF0, v12;
	v12 =	vor.u32 v1, v10;
	v18 =	vand.u32 $0xFFF0, v20;
	v15 =	vld [tilespmem:s26+$0xFFFFFFC0]  }
0xda: {  	v22 =	vand.u32 $0xFFF0, v13;
	v19 =	vadd.f32 $8.388608000e+06, v19;
	v23 =	vmul.f32 $6.553600000e+04, v7;
	v10 =	vld [tilespmem:s26+$0x0]  }
0xdb: {  	v20 =	vsub.f32 v24, v21;
	v21 =	vor.u32 v1, v25;
	s29 =	sadd.s32 $0x80, s29;
	v18 =	vor.u32 v1, v18;
	v13 =	vld [tilespmem:s26+$0xFFFFFFE0]  }
0xdc: {  	v23 =	vadd.f32 $8.388608000e+06, v23  }
0xdd: {  	v8 =	vsub.f32 v8, v16;
	v57 =	vcvt.s32.f32 v17;
	v24 =	vmul.f32 $6.553600000e+04, v6  }
0xde: {  	v19 =	vand.u32 $0xFFF0, v19;
	v14 =	vcvt.s32.f32 v14;
	v61 =	vor.u32 v1, v22  }
0xdf: {  	v60 =	vor.u32 v1, v19;
	v23 =	vand.u32 $0xFFF0, v23;
	v59 =	vadd.f32 $8.388608000e+06, v24  }
0xe0: {  	[tilespmem:v21+s4+$0x0] =	vst.idx.add.f32.msk $0xffff, v20;
	v3 =	vsub.f32 v3, v57;
	v58 =	vor.u32 v1, v23  }
0xe1: {  	s25 =	sadd.s32 $0x1, s25;
	v15 =	vcvt.s32.f32 v15;
	[tilespmem:v18+s4+$0x0] =	vst.idx.add.f32.msk $0xffff, v8;
	v4 =	vsub.f32 v4, v14;
	v62 =	vand.u32 $0xFFF0, v59  }
0xe2: {  	v5 =	vsub.f32 v5, v11;
	p0 =	sne.s32 s25, $0xA;
	[tilespmem:v12+s4+$0x0] =	vst.idx.add.f32.msk $0xffff, v3;
	v3 =	vcvt.s32.f32 v13;
	v8 =	vor.u32 v1, v62  }
.Ltmp4:
0xe3: {  	v63 =	vcvt.s32.f32 v10;
	v7 =	vsub.f32 v7, v15;
	[tilespmem:v9+s4+$0x0] =	vst.idx.add.f32.msk $0xffff, v4;
	(pc) =	sbr.rel @p0 .LBB2_4-.Ltmp4, $4  }
0xe4: {  	v2 =	vsub.f32 v2, v3;
	[tilespmem:v60+s4+$0x0] =	vst.idx.add.f32.msk $0xffff, v5  }
0xe5: {  	v3 =	vsub.f32 v6, v63;
	[tilespmem:v58+s4+$0x0] =	vst.idx.add.f32.msk $0xffff, v7  }
0xe6: {  	[tilespmem:v61+s4+$0x0] =	vst.idx.add.f32.msk $0xffff, v2  }
0xe7: {  	[tilespmem:v8+s4+$0x0] =	vst.idx.add.f32.msk $0xffff, v3  }
0xe8: {  	_ =	swait.ge [sflag:s20], $0x2000  }
0xe9: {  	[sflag:s20] =	ssyncset.done $0x0  }
0xea: {  	[sflag:s20] =	ssyncadd.s32 $0xFFFFE000  }
0xeb: {  	_ =	swait.ge [sflag:s20], $0x2000  }
0xec: {  	[sflag:s20] =	ssyncset.done $0x0  }
0xed: {  	s26 =	simm.s32 $0x10040;
	[sflag:s20] =	ssyncadd.s32 $0xFFFFE000  }
0xee: {  	v20 =	vld [tilespmem:s26+$0x10]  }
0xef: {  	v3 =	vld [tilespmem:s26+$0x20]  }
0xf0: {  	v2 =	vld [tilespmem:s26+$0xFFFFFFE0]  }
0xf1: {  	s25 =	simm.s32 $0x16040;
	v4 =	vld [tilespmem:s26+$0xFFFFFFD0]  }
0xf2: {  	v6 =	vld [tilespmem:s25+$0x30]  }
0xf3: {  	v8 =	vld [tilespmem:s26+$0xFFFFFFF0]  }
0xf4: {  	v5 =	vld [tilespmem:s26+$0x30]  }
0xf5: {  	v10 =	vld [tilespmem:s25+$0x10]  }
0xf6: {  	v9 =	vld [tilespmem:s25+$0xFFFFFFF0];
	v7 =	vmul.f32 $6.553600000e+04, v2  }
0xf7: {  	v11 =	vmul.f32 $6.553600000e+04, v4;
	v12 =	vmul.f32 $6.553600000e+04, v3  }
0xf8: {  	v15 =	vmul.f32 $6.553600000e+04, v20;
	v16 =	vmul.f32 $6.553600000e+04, v8  }
0xf9: {  	v19 =	vmul.f32 $6.553600000e+04, v5;
	v13 =	vadd.f32 $8.388608000e+06, v7;
	v7 =	vld [tilespmem:s26+$0xFFFFFFC0];
	v17 =	vadd.f32 $8.388608000e+06, v11  }
0xfa: {  	v14 =	vld [tilespmem:s25+$0xFFFFFFD0];
	v24 =	vcvt.s32.f32 v10;
	v12 =	vadd.f32 $8.388608000e+06, v12;
	v18 =	vadd.f32 $8.388608000e+06, v15  }
0xfb: {  	v11 =	vcvt.s32.f32 v6;
	v21 =	vadd.f32 $8.388608000e+06, v16;
	v16 =	vcvt.s32.f32 v9;
	v15 =	vld [tilespmem:s25+$0xFFFFFFC0]  }
0xfc: {  	v19 =	vadd.f32 $8.388608000e+06, v19;
	v20 =	vsub.f32 v20, v24;
	v6 =	vand.u32 $0xFFF0, v17;
	v17 =	vld [tilespmem:s25+$0x20]  }
0xfd: {  	v10 =	vand.u32 $0xFFF0, v12;
	v21 =	vand.u32 $0xFFF0, v21;
	v9 =	vor.u32 v1, v6;
	v6 =	vld [tilespmem:s26+$0x0]  }
0xfe: {  	v25 =	vand.u32 $0xFFF0, v18;
	v22 =	vand.u32 $0xFFF0, v13;
	v13 =	vld [tilespmem:s25+$0xFFFFFFE0];
	v23 =	vmul.f32 $6.553600000e+04, v7  }
0xff: {  	s28 =	simm.s32 $0x100C0;
	v12 =	vor.u32 v1, v10;
	v10 =	vld [tilespmem:s25+$0x0];
	s26 =	simm.s32 $0x0;
	v18 =	vor.u32 v1, v21;
	v21 =	vor.u32 v1, v25  }
.LBB2_12:
0x100: {  	v24 =	vld [tilespmem:s28+$0x10];
	s26 =	sadd.s32 $0x8, s26;
	v23 =	vadd.f32 $8.388608000e+06, v23;
	v14 =	vcvt.s32.f32 v14;
	v22 =	vor.u32 v1, v22;
	s25 =	sadd.s32 $0x80, s25  }
0x101: {  	v8 =	vsub.f32 v8, v16;
	v16 =	vcvt.s32.f32 v17;
	v11 =	vsub.f32 v5, v11;
	v25 =	vld [tilespmem:s25+$0x10];
	p0 =	slt.u32 s26, $0x1F8  }
0x102: {  	v17 =	vld [tilespmem:s25+$0x30];
	v5 =	vand.u32 $0xFFF0, v23;
	v14 =	vsub.f32 v4, v14;
	v4 =	vmul.f32 $6.553600000e+04, v6  }
0x103: {  	v19 =	vand.u32 $0xFFF0, v19;
	v16 =	vsub.f32 v3, v16;
	v5 =	vor.u32 v1, v5;
	v3 =	vld [tilespmem:s28+$0x20]  }
0x104: {  	v19 =	vor.u32 v1, v19;
	v4 =	vadd.f32 $8.388608000e+06, v4;
	[tilespmem:v21+s4+$0x0] =	vst.idx.add.f32.msk $0xffff, v20  }
0x105: {  	v15 =	vcvt.s32.f32 v15;
	[tilespmem:v18+s4+$0x0] =	vst.idx.add.f32.msk $0xffff, v8  }
0x106: {  	v18 =	vld [tilespmem:s25+$0xFFFFFFF0];
	v4 =	vand.u32 $0xFFF0, v4  }
0x107: {  	v7 =	vsub.f32 v7, v15;
	v15 =	vor.u32 v1, v4;
	[tilespmem:v12+s4+$0x0] =	vst.idx.add.f32.msk $0xffff, v16  }
0x108: {  	v4 =	vld [tilespmem:s28+$0xFFFFFFD0]  }
0x109: {  	v12 =	vld [tilespmem:s28+$0xFFFFFFE0]  }
0x10a: {  	v8 =	vld [tilespmem:s28+$0xFFFFFFF0]  }
0x10b: {  	v10 =	vcvt.s32.f32 v10;
	[tilespmem:v5+s4+$0x0] =	vst.idx.add.f32.msk $0xffff, v7;
	v7 =	vcvt.s32.f32 v13  }
0x10c: {  	[tilespmem:v9+s4+$0x0] =	vst.idx.add.f32.msk $0xffff, v14  }
0x10d: {  	v6 =	vsub.f32 v6, v10;
	v5 =	vld [tilespmem:s28+$0x30];
	v7 =	vsub.f32 v2, v7  }
0x10e: {  	v9 =	vmul.f32 $6.553600000e+04, v12;
	[tilespmem:v19+s4+$0x0] =	vst.idx.add.f32.msk $0xffff, v11;
	v2 =	vmov v12  }
0x10f: {  	v10 =	vmul.f32 $6.553600000e+04, v4;
	v11 =	vmul.f32 $6.553600000e+04, v3;
	[tilespmem:v22+s4+$0x0] =	vst.idx.add.f32.msk $0xffff, v7  }
0x110: {  	v12 =	vmul.f32 $6.553600000e+04, v24;
	v13 =	vadd.f32 $8.388608000e+06, v9;
	v9 =	vmul.f32 $6.553600000e+04, v8;
	[tilespmem:v15+s4+$0x0] =	vst.idx.add.f32.msk $0xffff, v6  }
0x111: {  	v6 =	vadd.f32 $8.388608000e+06, v10;
	v10 =	vadd.f32 $8.388608000e+06, v11;
	v7 =	vld [tilespmem:s28+$0xFFFFFFC0]  }
0x112: {  	v12 =	vadd.f32 $8.388608000e+06, v12;
	v11 =	vcvt.s32.f32 v17;
	v14 =	vld [tilespmem:s25+$0xFFFFFFD0];
	v19 =	vmul.f32 $6.553600000e+04, v5  }
.Ltmp5:
0x113: {  	v16 =	vcvt.s32.f32 v18;
	v6 =	vand.u32 $0xFFF0, v6;
	v20 =	vadd.f32 $8.388608000e+06, v9;
	v17 =	vld [tilespmem:s25+$0x20];
	(pc) =	sbr.rel @p0 .LBB2_12-.Ltmp5, $4  }
0x114: {  	v21 =	vcvt.s32.f32 v25;
	v10 =	vand.u32 $0xFFF0, v10;
	v9 =	vor.u32 v1, v6;
	v6 =	vld [tilespmem:s28+$0x0]  }
0x115: {  	v25 =	vand.u32 $0xFFF0, v12;
	v12 =	vor.u32 v1, v10;
	v18 =	vand.u32 $0xFFF0, v20;
	v15 =	vld [tilespmem:s25+$0xFFFFFFC0]  }
0x116: {  	v22 =	vand.u32 $0xFFF0, v13;
	v19 =	vadd.f32 $8.388608000e+06, v19;
	v23 =	vmul.f32 $6.553600000e+04, v7;
	v10 =	vld [tilespmem:s25+$0x0]  }
0x117: {  	v20 =	vsub.f32 v24, v21;
	v21 =	vor.u32 v1, v25;
	s28 =	sadd.s32 $0x80, s28;
	v18 =	vor.u32 v1, v18;
	v13 =	vld [tilespmem:s25+$0xFFFFFFE0]  }
0x118: {  	v23 =	vadd.f32 $8.388608000e+06, v23;
	_ =	sdelay $0x1  }
0x119: {  	v24 =	vmul.f32 $6.553600000e+04, v6;
	v23 =	vand.u32 $0xFFF0, v23  }
0x11a: {  	v8 =	vsub.f32 v8, v16;
	v16 =	vcvt.s32.f32 v17;
	v17 =	vor.u32 v1, v23  }
0x11b: {  	v19 =	vand.u32 $0xFFF0, v19;
	v15 =	vcvt.s32.f32 v15;
	v23 =	vadd.f32 $8.388608000e+06, v24  }
0x11c: {  	v14 =	vcvt.s32.f32 v14;
	[tilespmem:v21+s4+$0x0] =	vst.idx.add.f32.msk $0xffff, v20;
	v3 =	vsub.f32 v3, v16;
	v16 =	vor.u32 v1, v19  }
0x11d: {  	v19 =	vor.u32 v1, v22;
	[tilespmem:v18+s4+$0x0] =	vst.idx.add.f32.msk $0xffff, v8;
	v7 =	vsub.f32 v7, v15;
	v8 =	vand.u32 $0xFFF0, v23  }
0x11e: {  	v4 =	vsub.f32 v4, v14;
	[tilespmem:v12+s4+$0x0] =	vst.idx.add.f32.msk $0xffff, v3;
	v3 =	vcvt.s32.f32 v13;
	v8 =	vor.u32 v1, v8  }
0x11f: {  	v5 =	vsub.f32 v5, v11;
	[tilespmem:v17+s4+$0x0] =	vst.idx.add.f32.msk $0xffff, v7;
	v7 =	vcvt.s32.f32 v10  }
0x120: {  	[tilespmem:v9+s4+$0x0] =	vst.idx.add.f32.msk $0xffff, v4;
	v2 =	vsub.f32 v2, v3  }
0x121: {  	[tilespmem:v16+s4+$0x0] =	vst.idx.add.f32.msk $0xffff, v5;
	v3 =	vsub.f32 v6, v7  }
0x122: {  	[tilespmem:v19+s4+$0x0] =	vst.idx.add.f32.msk $0xffff, v2  }
0x123: {  	[tilespmem:v8+s4+$0x0] =	vst.idx.add.f32.msk $0xffff, v3  }
0x124: {  	_ =	swait.ge [sflag:s21], $0x2000  }
0x125: {  	[sflag:s21] =	ssyncset.done $0x0  }
0x126: {  	[sflag:s21] =	ssyncadd.s32 $0xFFFFE000  }
0x127: {  	_ =	swait.ge [sflag:s21], $0x2000  }
0x128: {  	[sflag:s21] =	ssyncset.done $0x0  }
0x129: {  	s26 =	simm.s32 $0x12040;
	[sflag:s21] =	ssyncadd.s32 $0xFFFFE000  }
0x12a: {  	v20 =	vld [tilespmem:s26+$0x10]  }
0x12b: {  	v3 =	vld [tilespmem:s26+$0x20]  }
0x12c: {  	v2 =	vld [tilespmem:s26+$0xFFFFFFE0]  }
0x12d: {  	s25 =	simm.s32 $0x18040;
	v4 =	vld [tilespmem:s26+$0xFFFFFFD0]  }
0x12e: {  	v6 =	vld [tilespmem:s25+$0x30]  }
0x12f: {  	v8 =	vld [tilespmem:s26+$0xFFFFFFF0]  }
0x130: {  	v5 =	vld [tilespmem:s26+$0x30]  }
0x131: {  	v10 =	vld [tilespmem:s25+$0x10]  }
0x132: {  	v9 =	vld [tilespmem:s25+$0xFFFFFFF0];
	v7 =	vmul.f32 $6.553600000e+04, v2  }
0x133: {  	v11 =	vmul.f32 $6.553600000e+04, v4;
	v12 =	vmul.f32 $6.553600000e+04, v3  }
0x134: {  	v15 =	vmul.f32 $6.553600000e+04, v20;
	v16 =	vmul.f32 $6.553600000e+04, v8  }
0x135: {  	v19 =	vmul.f32 $6.553600000e+04, v5;
	v13 =	vadd.f32 $8.388608000e+06, v7;
	v7 =	vld [tilespmem:s26+$0xFFFFFFC0];
	v17 =	vadd.f32 $8.388608000e+06, v11  }
0x136: {  	v14 =	vld [tilespmem:s25+$0xFFFFFFD0];
	v63 =	vcvt.s32.f32 v10;
	v12 =	vadd.f32 $8.388608000e+06, v12;
	v18 =	vadd.f32 $8.388608000e+06, v15  }
0x137: {  	v11 =	vcvt.s32.f32 v6;
	v21 =	vadd.f32 $8.388608000e+06, v16;
	v16 =	vcvt.s32.f32 v9;
	v15 =	vld [tilespmem:s25+$0xFFFFFFC0]  }
0x138: {  	v19 =	vadd.f32 $8.388608000e+06, v19;
	v20 =	vsub.f32 v20, v63;
	v6 =	vand.u32 $0xFFF0, v17;
	v17 =	vld [tilespmem:s25+$0x20]  }
0x139: {  	v10 =	vand.u32 $0xFFF0, v12;
	v21 =	vand.u32 $0xFFF0, v21;
	v9 =	vor.u32 v1, v6;
	v6 =	vld [tilespmem:s26+$0x0]  }
0x13a: {  	v25 =	vand.u32 $0xFFF0, v18;
	v22 =	vand.u32 $0xFFF0, v13;
	v13 =	vld [tilespmem:s25+$0xFFFFFFE0];
	v23 =	vmul.f32 $6.553600000e+04, v7  }
0x13b: {  	s28 =	simm.s32 $0x120C0;
	v12 =	vor.u32 v1, v10;
	v10 =	vld [tilespmem:s25+$0x0];
	s26 =	simm.s32 $0x0;
	v18 =	vor.u32 v1, v21;
	v21 =	vor.u32 v1, v25  }
.LBB2_14:
0x13c: {  	v24 =	vld [tilespmem:s28+$0x10];
	s26 =	sadd.s32 $0x8, s26;
	v23 =	vadd.f32 $8.388608000e+06, v23;
	v14 =	vcvt.s32.f32 v14;
	v22 =	vor.u32 v1, v22;
	s25 =	sadd.s32 $0x80, s25  }
0x13d: {  	v8 =	vsub.f32 v8, v16;
	v16 =	vcvt.s32.f32 v17;
	v11 =	vsub.f32 v5, v11;
	v25 =	vld [tilespmem:s25+$0x10];
	p0 =	slt.u32 s26, $0x1F8  }
0x13e: {  	v17 =	vld [tilespmem:s25+$0x30];
	v5 =	vand.u32 $0xFFF0, v23;
	v14 =	vsub.f32 v4, v14;
	v4 =	vmul.f32 $6.553600000e+04, v6  }
0x13f: {  	v19 =	vand.u32 $0xFFF0, v19;
	v16 =	vsub.f32 v3, v16;
	v5 =	vor.u32 v1, v5;
	v3 =	vld [tilespmem:s28+$0x20]  }
0x140: {  	v19 =	vor.u32 v1, v19;
	v4 =	vadd.f32 $8.388608000e+06, v4;
	[tilespmem:v21+s4+$0x0] =	vst.idx.add.f32.msk $0xffff, v20  }
0x141: {  	v15 =	vcvt.s32.f32 v15;
	[tilespmem:v18+s4+$0x0] =	vst.idx.add.f32.msk $0xffff, v8  }
0x142: {  	v18 =	vld [tilespmem:s25+$0xFFFFFFF0];
	v4 =	vand.u32 $0xFFF0, v4  }
0x143: {  	v7 =	vsub.f32 v7, v15;
	v15 =	vor.u32 v1, v4;
	[tilespmem:v12+s4+$0x0] =	vst.idx.add.f32.msk $0xffff, v16  }
0x144: {  	v4 =	vld [tilespmem:s28+$0xFFFFFFD0]  }
0x145: {  	v12 =	vld [tilespmem:s28+$0xFFFFFFE0]  }
0x146: {  	v8 =	vld [tilespmem:s28+$0xFFFFFFF0]  }
0x147: {  	v10 =	vcvt.s32.f32 v10;
	[tilespmem:v5+s4+$0x0] =	vst.idx.add.f32.msk $0xffff, v7;
	v7 =	vcvt.s32.f32 v13  }
0x148: {  	[tilespmem:v9+s4+$0x0] =	vst.idx.add.f32.msk $0xffff, v14  }
0x149: {  	v6 =	vsub.f32 v6, v10;
	v5 =	vld [tilespmem:s28+$0x30];
	v7 =	vsub.f32 v2, v7  }
0x14a: {  	v9 =	vmul.f32 $6.553600000e+04, v12;
	[tilespmem:v19+s4+$0x0] =	vst.idx.add.f32.msk $0xffff, v11;
	v2 =	vmov v12  }
0x14b: {  	v10 =	vmul.f32 $6.553600000e+04, v4;
	v11 =	vmul.f32 $6.553600000e+04, v3;
	[tilespmem:v22+s4+$0x0] =	vst.idx.add.f32.msk $0xffff, v7  }
0x14c: {  	v12 =	vmul.f32 $6.553600000e+04, v24;
	v13 =	vadd.f32 $8.388608000e+06, v9;
	v9 =	vmul.f32 $6.553600000e+04, v8;
	[tilespmem:v15+s4+$0x0] =	vst.idx.add.f32.msk $0xffff, v6  }
0x14d: {  	v6 =	vadd.f32 $8.388608000e+06, v10;
	v10 =	vadd.f32 $8.388608000e+06, v11;
	v7 =	vld [tilespmem:s28+$0xFFFFFFC0]  }
0x14e: {  	v12 =	vadd.f32 $8.388608000e+06, v12;
	v11 =	vcvt.s32.f32 v17;
	v14 =	vld [tilespmem:s25+$0xFFFFFFD0];
	v19 =	vmul.f32 $6.553600000e+04, v5  }
.Ltmp6:
0x14f: {  	v16 =	vcvt.s32.f32 v18;
	v6 =	vand.u32 $0xFFF0, v6;
	v20 =	vadd.f32 $8.388608000e+06, v9;
	v17 =	vld [tilespmem:s25+$0x20];
	(pc) =	sbr.rel @p0 .LBB2_14-.Ltmp6, $4  }
0x150: {  	v21 =	vcvt.s32.f32 v25;
	v10 =	vand.u32 $0xFFF0, v10;
	v9 =	vor.u32 v1, v6;
	v6 =	vld [tilespmem:s28+$0x0]  }
0x151: {  	v25 =	vand.u32 $0xFFF0, v12;
	v12 =	vor.u32 v1, v10;
	v18 =	vand.u32 $0xFFF0, v20;
	v15 =	vld [tilespmem:s25+$0xFFFFFFC0]  }
0x152: {  	v22 =	vand.u32 $0xFFF0, v13;
	v19 =	vadd.f32 $8.388608000e+06, v19;
	v23 =	vmul.f32 $6.553600000e+04, v7;
	v10 =	vld [tilespmem:s25+$0x0]  }
0x153: {  	v20 =	vsub.f32 v24, v21;
	v21 =	vor.u32 v1, v25;
	s28 =	sadd.s32 $0x80, s28;
	v18 =	vor.u32 v1, v18;
	v13 =	vld [tilespmem:s25+$0xFFFFFFE0]  }
0x154: {  	v23 =	vadd.f32 $8.388608000e+06, v23  }
0x155: {  	v8 =	vsub.f32 v8, v16;
	v57 =	vcvt.s32.f32 v17;
	v24 =	vmul.f32 $6.553600000e+04, v6  }
0x156: {  	v19 =	vand.u32 $0xFFF0, v19;
	v14 =	vcvt.s32.f32 v14;
	v61 =	vor.u32 v1, v22  }
0x157: {  	v60 =	vor.u32 v1, v19;
	v23 =	vand.u32 $0xFFF0, v23;
	v59 =	vadd.f32 $8.388608000e+06, v24  }
0x158: {  	[tilespmem:v21+s4+$0x0] =	vst.idx.add.f32.msk $0xffff, v20;
	v3 =	vsub.f32 v3, v57;
	v58 =	vor.u32 v1, v23  }
0x159: {  	v15 =	vcvt.s32.f32 v15;
	[tilespmem:v18+s4+$0x0] =	vst.idx.add.f32.msk $0xffff, v8;
	v4 =	vsub.f32 v4, v14;
	v62 =	vand.u32 $0xFFF0, v59  }
0x15a: {  	v5 =	vsub.f32 v5, v11;
	[tilespmem:v12+s4+$0x0] =	vst.idx.add.f32.msk $0xffff, v3;
	v3 =	vcvt.s32.f32 v13;
	v8 =	vor.u32 v1, v62  }
0x15b: {  	v63 =	vcvt.s32.f32 v10;
	v7 =	vsub.f32 v7, v15;
	[tilespmem:v9+s4+$0x0] =	vst.idx.add.f32.msk $0xffff, v4  }
0x15c: {  	v2 =	vsub.f32 v2, v3;
	[tilespmem:v60+s4+$0x0] =	vst.idx.add.f32.msk $0xffff, v5  }
0x15d: {  	s24 =	sadd.s32 $0x1, s24;
	v3 =	vsub.f32 v6, v63;
	[tilespmem:v58+s4+$0x0] =	vst.idx.add.f32.msk $0xffff, v7  }
0x15e: {  	p0 =	sne.s32 s24, s13;
	[tilespmem:v61+s4+$0x0] =	vst.idx.add.f32.msk $0xffff, v2  }
.Ltmp7:
0x15f: {  	[tilespmem:v8+s4+$0x0] =	vst.idx.add.f32.msk $0xffff, v3;
	(pc) =	sbr.rel @p0 .LBB2_1-.Ltmp7, $4  }
0x160: {  	[hbm4b:s12+s4] =	stream.linear.scatter [tilespmem:s4], [sflag:$0x4], $0x10000, $0x38;
	[tilespmem:$0x1C000] =	vst v63  }
0x161: {  	_ =	swait.ge [sflag:s23], $0x10000  }
0x162: {  	[sflag:s23] =	ssyncset.done $0x0  }
0x163: {  	[sflag:s23] =	ssyncadd.s32 $0xFFFF0000  }
0x164: {  	_ =	sfence.sel $0x180000  }
0x165: {  	[bflag:$0x0] =	sbarrier.arrive $0xFFFF  }
0x166: {  	p0 =	sne.s32 s0, $0x0;
	_ =	strace $0x90000047  }
0x167: {  	s0 =	sadd.s32 @!p0 $0x100000, s2;
	[bflag:$0x2] =	sbarrier.arrive $0xFFFF  }
0x168: {  	[sflag:s0] =	ssyncadd.tile.s32 @!p0 $0x1;
	_ =	shalt  }
.Lfunc_end2:
_tile_overlayer_lowered:
.L_overlay_start_2:
0x169: {  	(tag) =	ssettag $0x2  }
0x16a: {  	s0 =	rddreg [dreg:$0x0];
	s2 =	stileid.u32  }
0x16b: {  	s1 =	rddreg [dreg:$0x1];
	p0 =	sne.s32 s2, $0x0  }
0x16c: {  	s3 =	rddreg [dreg:$0x2];
	[bflag:$0x3] =	sbarrier.arrive $0xFFFF;
	s2 =	simm.s32 @!p0 $0x1C04  }
0x16d: {  	[timem:s3], [sflag:s2] =	dma.local @!p0 [hbm:s0], s1  }
0x16e: {  	s0 =	simm.s32 @!p0 $0x4  }
0x16f: {  	_ =	swait.ge @!p0 [sflag:s0], s1  }
0x170: {  	s1 =	ssub.s32 @!p0 $0x0, s1;
	[sflag:s0] =	ssyncset.done @!p0 $0x0  }
0x171: {  	[sflag:s0] =	ssyncadd.s32 @!p0 s1  }
0x172: {  	[bflag:$0x3] =	sbarrier.arrive $0xFFFF  }
0x173: {  	_ =	shalt  }

</sc_bundles>
